<compile_context>
chip_gen: v7x
topology: tpu7x:2x2x1
jax: 0.10.2.dev20260603
libtpu: 0.0.44.dev20260713+nightly
codegen_flags: <defaults>
</compile_context>

<pallas_src>
import functools

import jax
import jax.numpy as jnp
from jax import lax
from jax.experimental import pallas as pl
from jax.experimental.pallas import tpu as pltpu
from jax.experimental.pallas import tpu_sc as plsc

_DIM = 32
_NC = 2
_NS = 16
_NW = _NC * _NS
_L = 16


def _sc_body(tok_hbm, head_hbm, u_hbm, v_hbm, ub_hbm, vb_hbm, out_hbm,
             tok_v, head_v,
             u0, v0, ub0, vb0, u1, v1, ub1, vb1,
             out_v, sem0, sem1,
             *, n_per_w, chunk):
    wid = lax.axis_index("s") * _NC + lax.axis_index("c")
    base = wid * n_per_w
    pltpu.sync_copy(tok_hbm.at[pl.ds(base, n_per_w)], tok_v)
    pltpu.sync_copy(head_hbm.at[pl.ds(base, n_per_w)], head_v)

    nchunks = n_per_w // chunk
    bufs = ((u0, v0, ub0, vb0, sem0), (u1, v1, ub1, vb1, sem1))

    def start(g, buf):
        u_r, v_r, ub_r, vb_r, sem = buf
        idx_t = tok_v.at[pl.ds(g * chunk, chunk)]
        idx_h = head_v.at[pl.ds(g * chunk, chunk)]
        pltpu.async_copy(u_hbm.at[idx_t], u_r, sem)
        pltpu.async_copy(v_hbm.at[idx_h], v_r, sem)
        pltpu.async_copy(ub_hbm.at[idx_t], ub_r, sem)
        pltpu.async_copy(vb_hbm.at[idx_h], vb_r, sem)

    def drain(buf):
        u_r, v_r, ub_r, vb_r, sem = buf
        pltpu.make_async_copy(u_hbm.at[pl.ds(0, chunk)], u_r, sem).wait()
        pltpu.make_async_copy(v_hbm.at[pl.ds(0, chunk)], v_r, sem).wait()
        pltpu.make_async_copy(ub_hbm.at[pl.ds(0, chunk)], ub_r, sem).wait()
        pltpu.make_async_copy(vb_hbm.at[pl.ds(0, chunk)], vb_r, sem).wait()

    def compute(buf, accs):
        u_r, v_r, ub_r, vb_r, _ = buf

        def pair4(i, a):
            a0, a1, a2, a3 = a
            r = i * 4
            a0 = a0 + u_r[r, pl.ds(0, _L)] * v_r[r, pl.ds(0, _L)]
            a1 = a1 + u_r[r, pl.ds(_L, _L)] * v_r[r, pl.ds(_L, _L)]
            a2 = a2 + u_r[r + 1, pl.ds(0, _L)] * v_r[r + 1, pl.ds(0, _L)]
            a3 = a3 + u_r[r + 1, pl.ds(_L, _L)] * v_r[r + 1, pl.ds(_L, _L)]
            a0 = a0 + u_r[r + 2, pl.ds(0, _L)] * v_r[r + 2, pl.ds(0, _L)]
            a1 = a1 + u_r[r + 2, pl.ds(_L, _L)] * v_r[r + 2, pl.ds(_L, _L)]
            a2 = a2 + u_r[r + 3, pl.ds(0, _L)] * v_r[r + 3, pl.ds(0, _L)]
            a3 = a3 + u_r[r + 3, pl.ds(_L, _L)] * v_r[r + 3, pl.ds(_L, _L)]
            return (a0, a1, a2, a3)

        accs = lax.fori_loop(0, chunk // 4, pair4, accs)

        def bias4(k, a):
            a0, a1, a2, a3 = a
            s = k * 4 * _L
            a0 = a0 + ub_r[pl.ds(s, _L)]
            a1 = a1 + vb_r[pl.ds(s, _L)]
            a2 = a2 + ub_r[pl.ds(s + _L, _L)]
            a3 = a3 + vb_r[pl.ds(s + _L, _L)]
            a0 = a0 + ub_r[pl.ds(s + 2 * _L, _L)]
            a1 = a1 + vb_r[pl.ds(s + 2 * _L, _L)]
            a2 = a2 + ub_r[pl.ds(s + 3 * _L, _L)]
            a3 = a3 + vb_r[pl.ds(s + 3 * _L, _L)]
            return (a0, a1, a2, a3)

        return lax.fori_loop(0, chunk // (4 * _L), bias4, accs)

    start(0, bufs[0])
    zeros = jnp.zeros((_L,), jnp.float32)

    def outer(t, accs):
        g = t * 2
        start(g + 1, bufs[1])
        drain(bufs[0])
        accs = compute(bufs[0], accs)

        @pl.when(g + 2 < nchunks)
        def _():
            start(g + 2, bufs[0])

        drain(bufs[1])
        return compute(bufs[1], accs)

    accs = lax.fori_loop(0, nchunks // 2, outer, (zeros, zeros, zeros, zeros))
    out_v[...] = accs[0] + accs[1] + accs[2] + accs[3]
    pltpu.sync_copy(out_v, out_hbm.at[wid])


def kernel(tokens_batch, heads_batch, U, Ubias, V, Vbias):
    tok = tokens_batch.reshape(-1).astype(jnp.int32)
    head = heads_batch.reshape(-1).astype(jnp.int32)
    ub = Ubias.reshape(-1)
    vb = Vbias.reshape(-1)
    n = tok.shape[0]
    n_per_w = n // _NW
    chunk = 512

    mesh = plsc.VectorSubcoreMesh(core_axis_name="c", subcore_axis_name="s")
    body = functools.partial(_sc_body, n_per_w=n_per_w, chunk=chunk)
    partials = pl.kernel(
        body,
        out_type=jax.ShapeDtypeStruct((_NW, _L), jnp.float32),
        mesh=mesh,
        scratch_types=[
            pltpu.VMEM((n_per_w,), jnp.int32),
            pltpu.VMEM((n_per_w,), jnp.int32),
            pltpu.VMEM((chunk, _DIM), jnp.float32),
            pltpu.VMEM((chunk, _DIM), jnp.float32),
            pltpu.VMEM((chunk,), jnp.float32),
            pltpu.VMEM((chunk,), jnp.float32),
            pltpu.VMEM((chunk, _DIM), jnp.float32),
            pltpu.VMEM((chunk, _DIM), jnp.float32),
            pltpu.VMEM((chunk,), jnp.float32),
            pltpu.VMEM((chunk,), jnp.float32),
            pltpu.VMEM((_L,), jnp.float32),
            pltpu.SemaphoreType.DMA,
            pltpu.SemaphoreType.DMA,
        ],
        compiler_params=pltpu.CompilerParams(use_tc_tiling_on_sc=False),
    )(tok, head, U, V, ub, vb)
    return jnp.sum(partials)

# --- scband reference (transcript-rebuilt; emitter-appended) ---
"""Pipeline reference for scband-embedding-layer-2190433321123 (READ-ONLY COPY).

The authoritative reference and input builder live on the scoring server;
editing this copy changes nothing except your own understanding.
"""

import jax, jax.numpy as jnp
import numpy as np

VOCAB = 1000000
DIM = 32
B = 16384
L = 50

def setup_inputs(seed: int = 0) -> dict:
    key = jax.random.key(seed)
    k1, k2, k3, k4, k5, k6 = jax.random.split(key, 6)
    scale = 1.0 / jnp.sqrt(jnp.float32(DIM))
    U = jax.random.normal(k1, (VOCAB, DIM), dtype=jnp.float32) * scale
    Ubias = jax.random.normal(k2, (VOCAB, 1), dtype=jnp.float32)
    V = jax.random.normal(k3, (VOCAB, DIM), dtype=jnp.float32) * scale
    Vbias = jax.random.normal(k4, (VOCAB, 1), dtype=jnp.float32)
    tokens_batch = jax.random.randint(k5, (B, L), 0, VOCAB, dtype=jnp.int64) if jax.config.jax_enable_x64 else jax.random.randint(k5, (B, L), 0, VOCAB).astype(jnp.int32)
    heads_batch = jax.random.randint(k6, (B, L), 0, VOCAB, dtype=jnp.int64) if jax.config.jax_enable_x64 else jax.random.randint(k6, (B, L), 0, VOCAB).astype(jnp.int32)
    return {"tokens_batch": tokens_batch, "heads_batch": heads_batch, "U": U, "Ubias": Ubias, "V": V, "Vbias": Vbias}

def reference(tokens_batch, heads_batch, U, Ubias, V, Vbias):
    # link_energy: gather rows of U/V by token/head ids, elementwise product, sum over dim
    u_rows = jnp.take(U, tokens_batch, axis=0)        # [B, L, D]
    v_rows = jnp.take(V, heads_batch, axis=0)         # [B, L, D]
    ub = jnp.take(Ubias, tokens_batch, axis=0)        # [B, L, 1]
    vb = jnp.take(Vbias, heads_batch, axis=0)         # [B, L, 1]
    link = (jnp.sum(u_rows * v_rows, axis=2, keepdims=True) + ub + vb).squeeze(2)  # [B, L]
    return jnp.sum(link)

if __name__ == "__main__":
    import jax
    _d = setup_inputs()
    print(jax.jit(kernel)(*tuple(_d.values())))

</pallas_src>

<mosaic_0001>
#map = affine_map<(d0, d1) -> (0)>
#map1 = affine_map<(d0, d1) -> (0, 0)>
module attributes {stable_mosaic.version = 14 : i64} {
  func.func @_sc_body(%arg0: i32, %arg1: i32, %arg2: memref<819200xi32, #tpu.memory_space<hbm>>, %arg3: memref<819200xi32, #tpu.memory_space<hbm>>, %arg4: memref<1000000x32xf32, #tpu.memory_space<hbm>>, %arg5: memref<1000000x32xf32, #tpu.memory_space<hbm>>, %arg6: memref<1000000xf32, #tpu.memory_space<hbm>>, %arg7: memref<1000000xf32, #tpu.memory_space<hbm>>, %arg8: memref<32x16xf32, #tpu.memory_space<hbm>>, %arg9: memref<25600xi32, #tpu.memory_space<vmem>>, %arg10: memref<25600xi32, #tpu.memory_space<vmem>>, %arg11: memref<512x32xf32, #tpu.memory_space<vmem>>, %arg12: memref<512x32xf32, #tpu.memory_space<vmem>>, %arg13: memref<512xf32, #tpu.memory_space<vmem>>, %arg14: memref<512xf32, #tpu.memory_space<vmem>>, %arg15: memref<512x32xf32, #tpu.memory_space<vmem>>, %arg16: memref<512x32xf32, #tpu.memory_space<vmem>>, %arg17: memref<512xf32, #tpu.memory_space<vmem>>, %arg18: memref<512xf32, #tpu.memory_space<vmem>>, %arg19: memref<16xf32, #tpu.memory_space<vmem>>, %arg20: memref<!tpu.dma_semaphore, #tpu.memory_space<semaphore_mem>>, %arg21: memref<!tpu.dma_semaphore, #tpu.memory_space<semaphore_mem>>) attributes {dimension_semantics = [#tpu.dimension_semantics<core_parallel>, #tpu.dimension_semantics<subcore_parallel>], iteration_bounds = array<i64: 2, 16>, scalar_prefetch = 0 : i64, scratch_operands = 13 : i64, tpu.core_type = #tpu.core_type<sc_vector_subcore>, window_params = [{transform_indices = #map}, {transform_indices = #map}, {transform_indices = #map1}, {transform_indices = #map1}, {transform_indices = #map}, {transform_indices = #map}, {transform_indices = #map1}]} {
    %mul3A = arith.constant 2 : i32
    %mul3A_0 = arith.muli %arg1, %mul3A : i32
    %add3A = arith.addi %mul3A_0, %arg0 : i32
    %mul3A_1 = arith.constant 25600 : i32
    %mul3A_2 = arith.muli %add3A, %mul3A_1 : i32
    "tpu.region"() ({
      %run_scoped3A = tpu.sem_alloc : memref<!tpu.dma_semaphore, #tpu.memory_space<semaphore_mem>>
      %dma_start3A_32 = tpu.memref_slice %arg2[%mul3A_2] : memref<819200xi32, #tpu.memory_space<hbm>> -> memref<25600xi32, #tpu.memory_space<hbm>>
      %dma_start3A_33 = tpu.memref_slice %arg2[%mul3A_2] : memref<819200xi32, #tpu.memory_space<hbm>> -> memref<25600xi32, #tpu.memory_space<hbm>>
      tpu.enqueue_dma source(%dma_start3A_33 : memref<25600xi32, #tpu.memory_space<hbm>>) target(%arg9 : memref<25600xi32, #tpu.memory_space<vmem>>) target_semaphore(%run_scoped3A : memref<!tpu.dma_semaphore, #tpu.memory_space<semaphore_mem>>)
      %dma_wait3A = tpu.memref_slice %arg2[%mul3A_2] : memref<819200xi32, #tpu.memory_space<hbm>> -> memref<25600xi32, #tpu.memory_space<hbm>>
      %dma_wait3A_34 = tpu.memref_slice %arg2[%mul3A_2] : memref<819200xi32, #tpu.memory_space<hbm>> -> memref<25600xi32, #tpu.memory_space<hbm>>
      tpu.wait_dma2 semaphore(%run_scoped3A : memref<!tpu.dma_semaphore, #tpu.memory_space<semaphore_mem>>) src(%dma_wait3A_34 : memref<25600xi32, #tpu.memory_space<hbm>>) dst(%arg9 : memref<25600xi32, #tpu.memory_space<vmem>>)
      tpu.yield
    }) : () -> ()
    "tpu.region"() ({
      %run_scoped3A = tpu.sem_alloc : memref<!tpu.dma_semaphore, #tpu.memory_space<semaphore_mem>>
      %dma_start3A_32 = tpu.memref_slice %arg3[%mul3A_2] : memref<819200xi32, #tpu.memory_space<hbm>> -> memref<25600xi32, #tpu.memory_space<hbm>>
      %dma_start3A_33 = tpu.memref_slice %arg3[%mul3A_2] : memref<819200xi32, #tpu.memory_space<hbm>> -> memref<25600xi32, #tpu.memory_space<hbm>>
      tpu.enqueue_dma source(%dma_start3A_33 : memref<25600xi32, #tpu.memory_space<hbm>>) target(%arg10 : memref<25600xi32, #tpu.memory_space<vmem>>) target_semaphore(%run_scoped3A : memref<!tpu.dma_semaphore, #tpu.memory_space<semaphore_mem>>)
      %dma_wait3A = tpu.memref_slice %arg3[%mul3A_2] : memref<819200xi32, #tpu.memory_space<hbm>> -> memref<25600xi32, #tpu.memory_space<hbm>>
      %dma_wait3A_34 = tpu.memref_slice %arg3[%mul3A_2] : memref<819200xi32, #tpu.memory_space<hbm>> -> memref<25600xi32, #tpu.memory_space<hbm>>
      tpu.wait_dma2 semaphore(%run_scoped3A : memref<!tpu.dma_semaphore, #tpu.memory_space<semaphore_mem>>) src(%dma_wait3A_34 : memref<25600xi32, #tpu.memory_space<hbm>>) dst(%arg10 : memref<25600xi32, #tpu.memory_space<vmem>>)
      tpu.yield
    }) : () -> ()
    %dma_start3A = arith.constant 0 : i32
    %dma_start3A_3 = tpu.memref_slice %arg9[%dma_start3A] : memref<25600xi32, #tpu.memory_space<vmem>> -> memref<512xi32, #tpu.memory_space<vmem>>
    %dma_start3A_4 = arith.constant 0 : i32
    %dma_start3A_5 = arith.constant 0 : i32
    %dma_start3A_6 = tpu.memref_slice %arg4[%dma_start3A_4, %dma_start3A_5] : memref<1000000x32xf32, #tpu.memory_space<hbm>> -> memref<1000000x32xf32, #tpu.memory_space<hbm>>
    tpu.enqueue_indirect_dma source(%dma_start3A_6 : memref<1000000x32xf32, #tpu.memory_space<hbm>>) target(%arg11 : memref<512x32xf32, #tpu.memory_space<vmem>>) offsets(%dma_start3A_3 : memref<512xi32, #tpu.memory_space<vmem>>) semaphore(%arg20 : memref<!tpu.dma_semaphore, #tpu.memory_space<semaphore_mem>>)
    %dma_start3A_7 = arith.constant 0 : i32
    %dma_start3A_8 = tpu.memref_slice %arg10[%dma_start3A_7] : memref<25600xi32, #tpu.memory_space<vmem>> -> memref<512xi32, #tpu.memory_space<vmem>>
    %dma_start3A_9 = arith.constant 0 : i32
    %dma_start3A_10 = arith.constant 0 : i32
    %dma_start3A_11 = tpu.memref_slice %arg5[%dma_start3A_9, %dma_start3A_10] : memref<1000000x32xf32, #tpu.memory_space<hbm>> -> memref<1000000x32xf32, #tpu.memory_space<hbm>>
    tpu.enqueue_indirect_dma source(%dma_start3A_11 : memref<1000000x32xf32, #tpu.memory_space<hbm>>) target(%arg12 : memref<512x32xf32, #tpu.memory_space<vmem>>) offsets(%dma_start3A_8 : memref<512xi32, #tpu.memory_space<vmem>>) semaphore(%arg20 : memref<!tpu.dma_semaphore, #tpu.memory_space<semaphore_mem>>)
    %dma_start3A_12 = arith.constant 0 : i32
    %dma_start3A_13 = tpu.memref_slice %arg9[%dma_start3A_12] : memref<25600xi32, #tpu.memory_space<vmem>> -> memref<512xi32, #tpu.memory_space<vmem>>
    %dma_start3A_14 = arith.constant 0 : i32
    %dma_start3A_15 = tpu.memref_slice %arg6[%dma_start3A_14] : memref<1000000xf32, #tpu.memory_space<hbm>> -> memref<1000000xf32, #tpu.memory_space<hbm>>
    tpu.enqueue_indirect_dma source(%dma_start3A_15 : memref<1000000xf32, #tpu.memory_space<hbm>>) target(%arg13 : memref<512xf32, #tpu.memory_space<vmem>>) offsets(%dma_start3A_13 : memref<512xi32, #tpu.memory_space<vmem>>) semaphore(%arg20 : memref<!tpu.dma_semaphore, #tpu.memory_space<semaphore_mem>>)
    %dma_start3A_16 = arith.constant 0 : i32
    %dma_start3A_17 = tpu.memref_slice %arg10[%dma_start3A_16] : memref<25600xi32, #tpu.memory_space<vmem>> -> memref<512xi32, #tpu.memory_space<vmem>>
    %dma_start3A_18 = arith.constant 0 : i32
    %dma_start3A_19 = tpu.memref_slice %arg7[%dma_start3A_18] : memref<1000000xf32, #tpu.memory_space<hbm>> -> memref<1000000xf32, #tpu.memory_space<hbm>>
    tpu.enqueue_indirect_dma source(%dma_start3A_19 : memref<1000000xf32, #tpu.memory_space<hbm>>) target(%arg14 : memref<512xf32, #tpu.memory_space<vmem>>) offsets(%dma_start3A_17 : memref<512xi32, #tpu.memory_space<vmem>>) semaphore(%arg20 : memref<!tpu.dma_semaphore, #tpu.memory_space<semaphore_mem>>)
    %broadcast_in_dim3A = arith.constant 0.000000e+00 : f32
    %broadcast_in_dim3A_20 = vector.broadcast %broadcast_in_dim3A : f32 to vector<16xf32>
    %scan3A = arith.constant 0 : i32
    %scan3A_21 = arith.constant 25 : i32
    %scan3A_22 = arith.addi %scan3A, %scan3A_21 : i32
    %scan3A_23 = arith.constant 1 : i32
    %scan3A_24:4 = scf.for %scan3A_32 = %scan3A to %scan3A_22 step %scan3A_23 iter_args(%scan3A_33 = %broadcast_in_dim3A_20, %scan3A_34 = %broadcast_in_dim3A_20, %scan3A_35 = %broadcast_in_dim3A_20, %scan3A_36 = %broadcast_in_dim3A_20) -> (vector<16xf32>, vector<16xf32>, vector<16xf32>, vector<16xf32>)  : i32 {
      %mul3A_37 = arith.constant 2 : i32
      %mul3A_38 = arith.muli %scan3A_32, %mul3A_37 : i32
      %add3A_39 = arith.constant 1 : i32
      %add3A_40 = arith.addi %mul3A_38, %add3A_39 : i32
      %mul3A_41 = arith.constant 512 : i32
      %mul3A_42 = arith.muli %add3A_40, %mul3A_41 : i32
      %mul3A_43 = arith.constant 512 : i32
      %mul3A_44 = arith.muli %add3A_40, %mul3A_43 : i32
      %dma_start3A_45 = tpu.memref_slice %arg9[%mul3A_42] : memref<25600xi32, #tpu.memory_space<vmem>> -> memref<512xi32, #tpu.memory_space<vmem>>
      %dma_start3A_46 = arith.constant 0 : i32
      %dma_start3A_47 = arith.constant 0 : i32
      %dma_start3A_48 = tpu.memref_slice %arg4[%dma_start3A_46, %dma_start3A_47] : memref<1000000x32xf32, #tpu.memory_space<hbm>> -> memref<1000000x32xf32, #tpu.memory_space<hbm>>
      tpu.enqueue_indirect_dma source(%dma_start3A_48 : memref<1000000x32xf32, #tpu.memory_space<hbm>>) target(%arg15 : memref<512x32xf32, #tpu.memory_space<vmem>>) offsets(%dma_start3A_45 : memref<512xi32, #tpu.memory_space<vmem>>) semaphore(%arg21 : memref<!tpu.dma_semaphore, #tpu.memory_space<semaphore_mem>>)
      %dma_start3A_49 = tpu.memref_slice %arg10[%mul3A_44] : memref<25600xi32, #tpu.memory_space<vmem>> -> memref<512xi32, #tpu.memory_space<vmem>>
      %dma_start3A_50 = arith.constant 0 : i32
      %dma_start3A_51 = arith.constant 0 : i32
      %dma_start3A_52 = tpu.memref_slice %arg5[%dma_start3A_50, %dma_start3A_51] : memref<1000000x32xf32, #tpu.memory_space<hbm>> -> memref<1000000x32xf32, #tpu.memory_space<hbm>>
      tpu.enqueue_indirect_dma source(%dma_start3A_52 : memref<1000000x32xf32, #tpu.memory_space<hbm>>) target(%arg16 : memref<512x32xf32, #tpu.memory_space<vmem>>) offsets(%dma_start3A_49 : memref<512xi32, #tpu.memory_space<vmem>>) semaphore(%arg21 : memref<!tpu.dma_semaphore, #tpu.memory_space<semaphore_mem>>)
      %dma_start3A_53 = tpu.memref_slice %arg9[%mul3A_42] : memref<25600xi32, #tpu.memory_space<vmem>> -> memref<512xi32, #tpu.memory_space<vmem>>
      %dma_start3A_54 = arith.constant 0 : i32
      %dma_start3A_55 = tpu.memref_slice %arg6[%dma_start3A_54] : memref<1000000xf32, #tpu.memory_space<hbm>> -> memref<1000000xf32, #tpu.memory_space<hbm>>
      tpu.enqueue_indirect_dma source(%dma_start3A_55 : memref<1000000xf32, #tpu.memory_space<hbm>>) target(%arg17 : memref<512xf32, #tpu.memory_space<vmem>>) offsets(%dma_start3A_53 : memref<512xi32, #tpu.memory_space<vmem>>) semaphore(%arg21 : memref<!tpu.dma_semaphore, #tpu.memory_space<semaphore_mem>>)
      %dma_start3A_56 = tpu.memref_slice %arg10[%mul3A_44] : memref<25600xi32, #tpu.memory_space<vmem>> -> memref<512xi32, #tpu.memory_space<vmem>>
      %dma_start3A_57 = arith.constant 0 : i32
      %dma_start3A_58 = tpu.memref_slice %arg7[%dma_start3A_57] : memref<1000000xf32, #tpu.memory_space<hbm>> -> memref<1000000xf32, #tpu.memory_space<hbm>>
      tpu.enqueue_indirect_dma source(%dma_start3A_58 : memref<1000000xf32, #tpu.memory_space<hbm>>) target(%arg18 : memref<512xf32, #tpu.memory_space<vmem>>) offsets(%dma_start3A_56 : memref<512xi32, #tpu.memory_space<vmem>>) semaphore(%arg21 : memref<!tpu.dma_semaphore, #tpu.memory_space<semaphore_mem>>)
      %dma_wait3A = arith.constant 0 : i32
      %dma_wait3A_59 = arith.constant 0 : i32
      %dma_wait3A_60 = tpu.memref_slice %arg4[%dma_wait3A, %dma_wait3A_59] : memref<1000000x32xf32, #tpu.memory_space<hbm>> -> memref<512x32xf32, #tpu.memory_space<hbm>>
      %dma_wait3A_61 = arith.constant 0 : i32
      %dma_wait3A_62 = arith.constant 0 : i32
      %dma_wait3A_63 = tpu.memref_slice %arg4[%dma_wait3A_61, %dma_wait3A_62] : memref<1000000x32xf32, #tpu.memory_space<hbm>> -> memref<512x32xf32, #tpu.memory_space<hbm>>
      tpu.wait_dma2 semaphore(%arg20 : memref<!tpu.dma_semaphore, #tpu.memory_space<semaphore_mem>>) src(%dma_wait3A_63 : memref<512x32xf32, #tpu.memory_space<hbm>>) dst(%arg11 : memref<512x32xf32, #tpu.memory_space<vmem>>)
      %dma_wait3A_64 = arith.constant 0 : i32
      %dma_wait3A_65 = arith.constant 0 : i32
      %dma_wait3A_66 = tpu.memref_slice %arg5[%dma_wait3A_64, %dma_wait3A_65] : memref<1000000x32xf32, #tpu.memory_space<hbm>> -> memref<512x32xf32, #tpu.memory_space<hbm>>
      %dma_wait3A_67 = arith.constant 0 : i32
      %dma_wait3A_68 = arith.constant 0 : i32
      %dma_wait3A_69 = tpu.memref_slice %arg5[%dma_wait3A_67, %dma_wait3A_68] : memref<1000000x32xf32, #tpu.memory_space<hbm>> -> memref<512x32xf32, #tpu.memory_space<hbm>>
      tpu.wait_dma2 semaphore(%arg20 : memref<!tpu.dma_semaphore, #tpu.memory_space<semaphore_mem>>) src(%dma_wait3A_69 : memref<512x32xf32, #tpu.memory_space<hbm>>) dst(%arg12 : memref<512x32xf32, #tpu.memory_space<vmem>>)
      %dma_wait3A_70 = arith.constant 0 : i32
      %dma_wait3A_71 = tpu.memref_slice %arg6[%dma_wait3A_70] : memref<1000000xf32, #tpu.memory_space<hbm>> -> memref<512xf32, #tpu.memory_space<hbm>>
      %dma_wait3A_72 = arith.constant 0 : i32
      %dma_wait3A_73 = tpu.memref_slice %arg6[%dma_wait3A_72] : memref<1000000xf32, #tpu.memory_space<hbm>> -> memref<512xf32, #tpu.memory_space<hbm>>
      tpu.wait_dma2 semaphore(%arg20 : memref<!tpu.dma_semaphore, #tpu.memory_space<semaphore_mem>>) src(%dma_wait3A_73 : memref<512xf32, #tpu.memory_space<hbm>>) dst(%arg13 : memref<512xf32, #tpu.memory_space<vmem>>)
      %dma_wait3A_74 = arith.constant 0 : i32
      %dma_wait3A_75 = tpu.memref_slice %arg7[%dma_wait3A_74] : memref<1000000xf32, #tpu.memory_space<hbm>> -> memref<512xf32, #tpu.memory_space<hbm>>
      %dma_wait3A_76 = arith.constant 0 : i32
      %dma_wait3A_77 = tpu.memref_slice %arg7[%dma_wait3A_76] : memref<1000000xf32, #tpu.memory_space<hbm>> -> memref<512xf32, #tpu.memory_space<hbm>>
      tpu.wait_dma2 semaphore(%arg20 : memref<!tpu.dma_semaphore, #tpu.memory_space<semaphore_mem>>) src(%dma_wait3A_77 : memref<512xf32, #tpu.memory_space<hbm>>) dst(%arg14 : memref<512xf32, #tpu.memory_space<vmem>>)
      %scan3A_78 = arith.constant 0 : i32
      %scan3A_79 = arith.constant 128 : i32
      %scan3A_80 = arith.addi %scan3A_78, %scan3A_79 : i32
      %scan3A_81 = arith.constant 1 : i32
      %scan3A_82:4 = scf.for %scan3A_126 = %scan3A_78 to %scan3A_80 step %scan3A_81 iter_args(%scan3A_127 = %scan3A_33, %scan3A_128 = %scan3A_34, %scan3A_129 = %scan3A_35, %scan3A_130 = %scan3A_36) -> (vector<16xf32>, vector<16xf32>, vector<16xf32>, vector<16xf32>)  : i32 {
        %mul3A_131 = arith.constant 4 : i32
        %mul3A_132 = arith.muli %scan3A_126, %mul3A_131 : i32
        %get3A = arith.index_cast %mul3A_132 : i32 to index
        %get3A_133 = arith.constant 0 : index
        %get3A_134 = tpu.vector_load %arg11[%get3A, %get3A_133] {strides = array<i32>} : memref<512x32xf32, #tpu.memory_space<vmem>>, vector<1x16xf32>,
        %get3A_135 = vector.shape_cast %get3A_134 : vector<1x16xf32> to vector<16xf32>
        %get3A_136 = arith.index_cast %mul3A_132 : i32 to index
        %get3A_137 = arith.constant 0 : index
        %get3A_138 = tpu.vector_load %arg12[%get3A_136, %get3A_137] {strides = array<i32>} : memref<512x32xf32, #tpu.memory_space<vmem>>, vector<1x16xf32>,
        %get3A_139 = vector.shape_cast %get3A_138 : vector<1x16xf32> to vector<16xf32>
        %mul3A_140 = arith.mulf %get3A_135, %get3A_139 : vector<16xf32>
        %add3A_141 = arith.addf %scan3A_127, %mul3A_140 : vector<16xf32>
        %get3A_142 = arith.index_cast %mul3A_132 : i32 to index
        %get3A_143 = arith.constant 16 : index
        %get3A_144 = tpu.vector_load %arg11[%get3A_142, %get3A_143] {strides = array<i32>} : memref<512x32xf32, #tpu.memory_space<vmem>>, vector<1x16xf32>,
        %get3A_145 = vector.shape_cast %get3A_144 : vector<1x16xf32> to vector<16xf32>
        %get3A_146 = arith.index_cast %mul3A_132 : i32 to index
        %get3A_147 = arith.constant 16 : index
        %get3A_148 = tpu.vector_load %arg12[%get3A_146, %get3A_147] {strides = array<i32>} : memref<512x32xf32, #tpu.memory_space<vmem>>, vector<1x16xf32>,
        %get3A_149 = vector.shape_cast %get3A_148 : vector<1x16xf32> to vector<16xf32>
        %mul3A_150 = arith.mulf %get3A_145, %get3A_149 : vector<16xf32>
        %add3A_151 = arith.addf %scan3A_128, %mul3A_150 : vector<16xf32>
        %add3A_152 = arith.constant 1 : i32
        %add3A_153 = arith.addi %mul3A_132, %add3A_152 : i32
        %get3A_154 = arith.index_cast %add3A_153 : i32 to index
        %get3A_155 = arith.constant 0 : index
        %get3A_156 = tpu.vector_load %arg11[%get3A_154, %get3A_155] {strides = array<i32>} : memref<512x32xf32, #tpu.memory_space<vmem>>, vector<1x16xf32>,
        %get3A_157 = vector.shape_cast %get3A_156 : vector<1x16xf32> to vector<16xf32>
        %add3A_158 = arith.constant 1 : i32
        %add3A_159 = arith.addi %mul3A_132, %add3A_158 : i32
        %get3A_160 = arith.index_cast %add3A_159 : i32 to index
        %get3A_161 = arith.constant 0 : index
        %get3A_162 = tpu.vector_load %arg12[%get3A_160, %get3A_161] {strides = array<i32>} : memref<512x32xf32, #tpu.memory_space<vmem>>, vector<1x16xf32>,
        %get3A_163 = vector.shape_cast %get3A_162 : vector<1x16xf32> to vector<16xf32>
        %mul3A_164 = arith.mulf %get3A_157, %get3A_163 : vector<16xf32>
        %add3A_165 = arith.addf %scan3A_129, %mul3A_164 : vector<16xf32>
        %add3A_166 = arith.constant 1 : i32
        %add3A_167 = arith.addi %mul3A_132, %add3A_166 : i32
        %get3A_168 = arith.index_cast %add3A_167 : i32 to index
        %get3A_169 = arith.constant 16 : index
        %get3A_170 = tpu.vector_load %arg11[%get3A_168, %get3A_169] {strides = array<i32>} : memref<512x32xf32, #tpu.memory_space<vmem>>, vector<1x16xf32>,
        %get3A_171 = vector.shape_cast %get3A_170 : vector<1x16xf32> to vector<16xf32>
        %add3A_172 = arith.constant 1 : i32
        %add3A_173 = arith.addi %mul3A_132, %add3A_172 : i32
        %get3A_174 = arith.index_cast %add3A_173 : i32 to index
        %get3A_175 = arith.constant 16 : index
        %get3A_176 = tpu.vector_load %arg12[%get3A_174, %get3A_175] {strides = array<i32>} : memref<512x32xf32, #tpu.memory_space<vmem>>, vector<1x16xf32>,
        %get3A_177 = vector.shape_cast %get3A_176 : vector<1x16xf32> to vector<16xf32>
        %mul3A_178 = arith.mulf %get3A_171, %get3A_177 : vector<16xf32>
        %add3A_179 = arith.addf %scan3A_130, %mul3A_178 : vector<16xf32>
        %add3A_180 = arith.constant 2 : i32
        %add3A_181 = arith.addi %mul3A_132, %add3A_180 : i32
        %get3A_182 = arith.index_cast %add3A_181 : i32 to index
        %get3A_183 = arith.constant 0 : index
        %get3A_184 = tpu.vector_load %arg11[%get3A_182, %get3A_183] {strides = array<i32>} : memref<512x32xf32, #tpu.memory_space<vmem>>, vector<1x16xf32>,
        %get3A_185 = vector.shape_cast %get3A_184 : vector<1x16xf32> to vector<16xf32>
        %add3A_186 = arith.constant 2 : i32
        %add3A_187 = arith.addi %mul3A_132, %add3A_186 : i32
        %get3A_188 = arith.index_cast %add3A_187 : i32 to index
        %get3A_189 = arith.constant 0 : index
        %get3A_190 = tpu.vector_load %arg12[%get3A_188, %get3A_189] {strides = array<i32>} : memref<512x32xf32, #tpu.memory_space<vmem>>, vector<1x16xf32>,
        %get3A_191 = vector.shape_cast %get3A_190 : vector<1x16xf32> to vector<16xf32>
        %mul3A_192 = arith.mulf %get3A_185, %get3A_191 : vector<16xf32>
        %add3A_193 = arith.addf %add3A_141, %mul3A_192 : vector<16xf32>
        %add3A_194 = arith.constant 2 : i32
        %add3A_195 = arith.addi %mul3A_132, %add3A_194 : i32
        %get3A_196 = arith.index_cast %add3A_195 : i32 to index
        %get3A_197 = arith.constant 16 : index
        %get3A_198 = tpu.vector_load %arg11[%get3A_196, %get3A_197] {strides = array<i32>} : memref<512x32xf32, #tpu.memory_space<vmem>>, vector<1x16xf32>,
        %get3A_199 = vector.shape_cast %get3A_198 : vector<1x16xf32> to vector<16xf32>
        %add3A_200 = arith.constant 2 : i32
        %add3A_201 = arith.addi %mul3A_132, %add3A_200 : i32
        %get3A_202 = arith.index_cast %add3A_201 : i32 to index
        %get3A_203 = arith.constant 16 : index
        %get3A_204 = tpu.vector_load %arg12[%get3A_202, %get3A_203] {strides = array<i32>} : memref<512x32xf32, #tpu.memory_space<vmem>>, vector<1x16xf32>,
        %get3A_205 = vector.shape_cast %get3A_204 : vector<1x16xf32> to vector<16xf32>
        %mul3A_206 = arith.mulf %get3A_199, %get3A_205 : vector<16xf32>
        %add3A_207 = arith.addf %add3A_151, %mul3A_206 : vector<16xf32>
        %add3A_208 = arith.constant 3 : i32
        %add3A_209 = arith.addi %mul3A_132, %add3A_208 : i32
        %get3A_210 = arith.index_cast %add3A_209 : i32 to index
        %get3A_211 = arith.constant 0 : index
        %get3A_212 = tpu.vector_load %arg11[%get3A_210, %get3A_211] {strides = array<i32>} : memref<512x32xf32, #tpu.memory_space<vmem>>, vector<1x16xf32>,
        %get3A_213 = vector.shape_cast %get3A_212 : vector<1x16xf32> to vector<16xf32>
        %add3A_214 = arith.constant 3 : i32
        %add3A_215 = arith.addi %mul3A_132, %add3A_214 : i32
        %get3A_216 = arith.index_cast %add3A_215 : i32 to index
        %get3A_217 = arith.constant 0 : index
        %get3A_218 = tpu.vector_load %arg12[%get3A_216, %get3A_217] {strides = array<i32>} : memref<512x32xf32, #tpu.memory_space<vmem>>, vector<1x16xf32>,
        %get3A_219 = vector.shape_cast %get3A_218 : vector<1x16xf32> to vector<16xf32>
        %mul3A_220 = arith.mulf %get3A_213, %get3A_219 : vector<16xf32>
        %add3A_221 = arith.addf %add3A_165, %mul3A_220 : vector<16xf32>
        %add3A_222 = arith.constant 3 : i32
        %add3A_223 = arith.addi %mul3A_132, %add3A_222 : i32
        %get3A_224 = arith.index_cast %add3A_223 : i32 to index
        %get3A_225 = arith.constant 16 : index
        %get3A_226 = tpu.vector_load %arg11[%get3A_224, %get3A_225] {strides = array<i32>} : memref<512x32xf32, #tpu.memory_space<vmem>>, vector<1x16xf32>,
        %get3A_227 = vector.shape_cast %get3A_226 : vector<1x16xf32> to vector<16xf32>
        %add3A_228 = arith.constant 3 : i32
        %add3A_229 = arith.addi %mul3A_132, %add3A_228 : i32
        %get3A_230 = arith.index_cast %add3A_229 : i32 to index
        %get3A_231 = arith.constant 16 : index
        %get3A_232 = tpu.vector_load %arg12[%get3A_230, %get3A_231] {strides = array<i32>} : memref<512x32xf32, #tpu.memory_space<vmem>>, vector<1x16xf32>,
        %get3A_233 = vector.shape_cast %get3A_232 : vector<1x16xf32> to vector<16xf32>
        %mul3A_234 = arith.mulf %get3A_227, %get3A_233 : vector<16xf32>
        %add3A_235 = arith.addf %add3A_179, %mul3A_234 : vector<16xf32>
        scf.yield %add3A_193, %add3A_207, %add3A_221, %add3A_235 : vector<16xf32>, vector<16xf32>, vector<16xf32>, vector<16xf32>
      }
      %scan3A_83 = arith.constant 128 : i32
      %scan3A_84 = arith.constant 0 : i32
      %scan3A_85 = arith.constant 8 : i32
      %scan3A_86 = arith.addi %scan3A_84, %scan3A_85 : i32
      %scan3A_87 = arith.constant 1 : i32
      %scan3A_88:4 = scf.for %scan3A_126 = %scan3A_84 to %scan3A_86 step %scan3A_87 iter_args(%scan3A_127 = %scan3A_82#0, %scan3A_128 = %scan3A_82#1, %scan3A_129 = %scan3A_82#2, %scan3A_130 = %scan3A_82#3) -> (vector<16xf32>, vector<16xf32>, vector<16xf32>, vector<16xf32>)  : i32 {
        %mul3A_131 = arith.constant 4 : i32
        %mul3A_132 = arith.muli %scan3A_126, %mul3A_131 : i32
        %mul3A_133 = arith.constant 16 : i32
        %mul3A_134 = arith.muli %mul3A_132, %mul3A_133 : i32
        %get3A = arith.index_cast %mul3A_134 : i32 to index
        %get3A_135 = tpu.vector_load %arg13[%get3A] {strides = array<i32>} : memref<512xf32, #tpu.memory_space<vmem>>, vector<16xf32>,
        %get3A_136 = vector.shape_cast %get3A_135 : vector<16xf32> to vector<16xf32>
        %add3A_137 = arith.addf %scan3A_127, %get3A_136 : vector<16xf32>
        %get3A_138 = arith.index_cast %mul3A_134 : i32 to index
        %get3A_139 = tpu.vector_load %arg14[%get3A_138] {strides = array<i32>} : memref<512xf32, #tpu.memory_space<vmem>>, vector<16xf32>,
        %get3A_140 = vector.shape_cast %get3A_139 : vector<16xf32> to vector<16xf32>
        %add3A_141 = arith.addf %scan3A_128, %get3A_140 : vector<16xf32>
        %add3A_142 = arith.constant 16 : i32
        %add3A_143 = arith.addi %mul3A_134, %add3A_142 : i32
        %get3A_144 = arith.index_cast %add3A_143 : i32 to index
        %get3A_145 = tpu.vector_load %arg13[%get3A_144] {strides = array<i32>} : memref<512xf32, #tpu.memory_space<vmem>>, vector<16xf32>,
        %get3A_146 = vector.shape_cast %get3A_145 : vector<16xf32> to vector<16xf32>
        %add3A_147 = arith.addf %scan3A_129, %get3A_146 : vector<16xf32>
        %add3A_148 = arith.constant 16 : i32
        %add3A_149 = arith.addi %mul3A_134, %add3A_148 : i32
        %get3A_150 = arith.index_cast %add3A_149 : i32 to index
        %get3A_151 = tpu.vector_load %arg14[%get3A_150] {strides = array<i32>} : memref<512xf32, #tpu.memory_space<vmem>>, vector<16xf32>,
        %get3A_152 = vector.shape_cast %get3A_151 : vector<16xf32> to vector<16xf32>
        %add3A_153 = arith.addf %scan3A_130, %get3A_152 : vector<16xf32>
        %add3A_154 = arith.constant 32 : i32
        %add3A_155 = arith.addi %mul3A_134, %add3A_154 : i32
        %get3A_156 = arith.index_cast %add3A_155 : i32 to index
        %get3A_157 = tpu.vector_load %arg13[%get3A_156] {strides = array<i32>} : memref<512xf32, #tpu.memory_space<vmem>>, vector<16xf32>,
        %get3A_158 = vector.shape_cast %get3A_157 : vector<16xf32> to vector<16xf32>
        %add3A_159 = arith.addf %add3A_137, %get3A_158 : vector<16xf32>
        %add3A_160 = arith.constant 32 : i32
        %add3A_161 = arith.addi %mul3A_134, %add3A_160 : i32
        %get3A_162 = arith.index_cast %add3A_161 : i32 to index
        %get3A_163 = tpu.vector_load %arg14[%get3A_162] {strides = array<i32>} : memref<512xf32, #tpu.memory_space<vmem>>, vector<16xf32>,
        %get3A_164 = vector.shape_cast %get3A_163 : vector<16xf32> to vector<16xf32>
        %add3A_165 = arith.addf %add3A_141, %get3A_164 : vector<16xf32>
        %add3A_166 = arith.constant 48 : i32
        %add3A_167 = arith.addi %mul3A_134, %add3A_166 : i32
        %get3A_168 = arith.index_cast %add3A_167 : i32 to index
        %get3A_169 = tpu.vector_load %arg13[%get3A_168] {strides = array<i32>} : memref<512xf32, #tpu.memory_space<vmem>>, vector<16xf32>,
        %get3A_170 = vector.shape_cast %get3A_169 : vector<16xf32> to vector<16xf32>
        %add3A_171 = arith.addf %add3A_147, %get3A_170 : vector<16xf32>
        %add3A_172 = arith.constant 48 : i32
        %add3A_173 = arith.addi %mul3A_134, %add3A_172 : i32
        %get3A_174 = arith.index_cast %add3A_173 : i32 to index
        %get3A_175 = tpu.vector_load %arg14[%get3A_174] {strides = array<i32>} : memref<512xf32, #tpu.memory_space<vmem>>, vector<16xf32>,
        %get3A_176 = vector.shape_cast %get3A_175 : vector<16xf32> to vector<16xf32>
        %add3A_177 = arith.addf %add3A_153, %get3A_176 : vector<16xf32>
        scf.yield %add3A_159, %add3A_165, %add3A_171, %add3A_177 : vector<16xf32>, vector<16xf32>, vector<16xf32>, vector<16xf32>
      }
      %scan3A_89 = arith.constant 8 : i32
      %add3A_90 = arith.constant 2 : i32
      %add3A_91 = arith.addi %mul3A_38, %add3A_90 : i32
      %lt3A = arith.constant 50 : i32
      %lt3A_92 = arith.cmpi slt, %add3A_91, %lt3A : i32
      %convert_element_type3A = arith.extui %lt3A_92 : i1 to i32
      %cond3A = arith.constant 0 : i32
      %cond3A_93 = arith.cmpi ne, %convert_element_type3A, %cond3A : i32
      scf.if %cond3A_93 {
        %add3A_126 = arith.constant 2 : i32
        %add3A_127 = arith.addi %mul3A_38, %add3A_126 : i32
        %mul3A_128 = arith.constant 512 : i32
        %mul3A_129 = arith.muli %add3A_127, %mul3A_128 : i32
        %mul3A_130 = arith.constant 512 : i32
        %mul3A_131 = arith.muli %add3A_127, %mul3A_130 : i32
        %dma_start3A_132 = tpu.memref_slice %arg9[%mul3A_129] : memref<25600xi32, #tpu.memory_space<vmem>> -> memref<512xi32, #tpu.memory_space<vmem>>
        %dma_start3A_133 = arith.constant 0 : i32
        %dma_start3A_134 = arith.constant 0 : i32
        %dma_start3A_135 = tpu.memref_slice %arg4[%dma_start3A_133, %dma_start3A_134] : memref<1000000x32xf32, #tpu.memory_space<hbm>> -> memref<1000000x32xf32, #tpu.memory_space<hbm>>
        tpu.enqueue_indirect_dma source(%dma_start3A_135 : memref<1000000x32xf32, #tpu.memory_space<hbm>>) target(%arg11 : memref<512x32xf32, #tpu.memory_space<vmem>>) offsets(%dma_start3A_132 : memref<512xi32, #tpu.memory_space<vmem>>) semaphore(%arg20 : memref<!tpu.dma_semaphore, #tpu.memory_space<semaphore_mem>>)
        %dma_start3A_136 = tpu.memref_slice %arg10[%mul3A_131] : memref<25600xi32, #tpu.memory_space<vmem>> -> memref<512xi32, #tpu.memory_space<vmem>>
        %dma_start3A_137 = arith.constant 0 : i32
        %dma_start3A_138 = arith.constant 0 : i32
        %dma_start3A_139 = tpu.memref_slice %arg5[%dma_start3A_137, %dma_start3A_138] : memref<1000000x32xf32, #tpu.memory_space<hbm>> -> memref<1000000x32xf32, #tpu.memory_space<hbm>>
        tpu.enqueue_indirect_dma source(%dma_start3A_139 : memref<1000000x32xf32, #tpu.memory_space<hbm>>) target(%arg12 : memref<512x32xf32, #tpu.memory_space<vmem>>) offsets(%dma_start3A_136 : memref<512xi32, #tpu.memory_space<vmem>>) semaphore(%arg20 : memref<!tpu.dma_semaphore, #tpu.memory_space<semaphore_mem>>)
        %dma_start3A_140 = tpu.memref_slice %arg9[%mul3A_129] : memref<25600xi32, #tpu.memory_space<vmem>> -> memref<512xi32, #tpu.memory_space<vmem>>
        %dma_start3A_141 = arith.constant 0 : i32
        %dma_start3A_142 = tpu.memref_slice %arg6[%dma_start3A_141] : memref<1000000xf32, #tpu.memory_space<hbm>> -> memref<1000000xf32, #tpu.memory_space<hbm>>
        tpu.enqueue_indirect_dma source(%dma_start3A_142 : memref<1000000xf32, #tpu.memory_space<hbm>>) target(%arg13 : memref<512xf32, #tpu.memory_space<vmem>>) offsets(%dma_start3A_140 : memref<512xi32, #tpu.memory_space<vmem>>) semaphore(%arg20 : memref<!tpu.dma_semaphore, #tpu.memory_space<semaphore_mem>>)
        %dma_start3A_143 = tpu.memref_slice %arg10[%mul3A_131] : memref<25600xi32, #tpu.memory_space<vmem>> -> memref<512xi32, #tpu.memory_space<vmem>>
        %dma_start3A_144 = arith.constant 0 : i32
        %dma_start3A_145 = tpu.memref_slice %arg7[%dma_start3A_144] : memref<1000000xf32, #tpu.memory_space<hbm>> -> memref<1000000xf32, #tpu.memory_space<hbm>>
        tpu.enqueue_indirect_dma source(%dma_start3A_145 : memref<1000000xf32, #tpu.memory_space<hbm>>) target(%arg14 : memref<512xf32, #tpu.memory_space<vmem>>) offsets(%dma_start3A_143 : memref<512xi32, #tpu.memory_space<vmem>>) semaphore(%arg20 : memref<!tpu.dma_semaphore, #tpu.memory_space<semaphore_mem>>)
      } else {
      }
      %dma_wait3A_94 = arith.constant 0 : i32
      %dma_wait3A_95 = arith.constant 0 : i32
      %dma_wait3A_96 = tpu.memref_slice %arg4[%dma_wait3A_94, %dma_wait3A_95] : memref<1000000x32xf32, #tpu.memory_space<hbm>> -> memref<512x32xf32, #tpu.memory_space<hbm>>
      %dma_wait3A_97 = arith.constant 0 : i32
      %dma_wait3A_98 = arith.constant 0 : i32
      %dma_wait3A_99 = tpu.memref_slice %arg4[%dma_wait3A_97, %dma_wait3A_98] : memref<1000000x32xf32, #tpu.memory_space<hbm>> -> memref<512x32xf32, #tpu.memory_space<hbm>>
      tpu.wait_dma2 semaphore(%arg21 : memref<!tpu.dma_semaphore, #tpu.memory_space<semaphore_mem>>) src(%dma_wait3A_99 : memref<512x32xf32, #tpu.memory_space<hbm>>) dst(%arg15 : memref<512x32xf32, #tpu.memory_space<vmem>>)
      %dma_wait3A_100 = arith.constant 0 : i32
      %dma_wait3A_101 = arith.constant 0 : i32
      %dma_wait3A_102 = tpu.memref_slice %arg5[%dma_wait3A_100, %dma_wait3A_101] : memref<1000000x32xf32, #tpu.memory_space<hbm>> -> memref<512x32xf32, #tpu.memory_space<hbm>>
      %dma_wait3A_103 = arith.constant 0 : i32
      %dma_wait3A_104 = arith.constant 0 : i32
      %dma_wait3A_105 = tpu.memref_slice %arg5[%dma_wait3A_103, %dma_wait3A_104] : memref<1000000x32xf32, #tpu.memory_space<hbm>> -> memref<512x32xf32, #tpu.memory_space<hbm>>
      tpu.wait_dma2 semaphore(%arg21 : memref<!tpu.dma_semaphore, #tpu.memory_space<semaphore_mem>>) src(%dma_wait3A_105 : memref<512x32xf32, #tpu.memory_space<hbm>>) dst(%arg16 : memref<512x32xf32, #tpu.memory_space<vmem>>)
      %dma_wait3A_106 = arith.constant 0 : i32
      %dma_wait3A_107 = tpu.memref_slice %arg6[%dma_wait3A_106] : memref<1000000xf32, #tpu.memory_space<hbm>> -> memref<512xf32, #tpu.memory_space<hbm>>
      %dma_wait3A_108 = arith.constant 0 : i32
      %dma_wait3A_109 = tpu.memref_slice %arg6[%dma_wait3A_108] : memref<1000000xf32, #tpu.memory_space<hbm>> -> memref<512xf32, #tpu.memory_space<hbm>>
      tpu.wait_dma2 semaphore(%arg21 : memref<!tpu.dma_semaphore, #tpu.memory_space<semaphore_mem>>) src(%dma_wait3A_109 : memref<512xf32, #tpu.memory_space<hbm>>) dst(%arg17 : memref<512xf32, #tpu.memory_space<vmem>>)
      %dma_wait3A_110 = arith.constant 0 : i32
      %dma_wait3A_111 = tpu.memref_slice %arg7[%dma_wait3A_110] : memref<1000000xf32, #tpu.memory_space<hbm>> -> memref<512xf32, #tpu.memory_space<hbm>>
      %dma_wait3A_112 = arith.constant 0 : i32
      %dma_wait3A_113 = tpu.memref_slice %arg7[%dma_wait3A_112] : memref<1000000xf32, #tpu.memory_space<hbm>> -> memref<512xf32, #tpu.memory_space<hbm>>
      tpu.wait_dma2 semaphore(%arg21 : memref<!tpu.dma_semaphore, #tpu.memory_space<semaphore_mem>>) src(%dma_wait3A_113 : memref<512xf32, #tpu.memory_space<hbm>>) dst(%arg18 : memref<512xf32, #tpu.memory_space<vmem>>)
      %scan3A_114 = arith.constant 0 : i32
      %scan3A_115 = arith.constant 128 : i32
      %scan3A_116 = arith.addi %scan3A_114, %scan3A_115 : i32
      %scan3A_117 = arith.constant 1 : i32
      %scan3A_118:4 = scf.for %scan3A_126 = %scan3A_114 to %scan3A_116 step %scan3A_117 iter_args(%scan3A_127 = %scan3A_88#0, %scan3A_128 = %scan3A_88#1, %scan3A_129 = %scan3A_88#2, %scan3A_130 = %scan3A_88#3) -> (vector<16xf32>, vector<16xf32>, vector<16xf32>, vector<16xf32>)  : i32 {
        %mul3A_131 = arith.constant 4 : i32
        %mul3A_132 = arith.muli %scan3A_126, %mul3A_131 : i32
        %get3A = arith.index_cast %mul3A_132 : i32 to index
        %get3A_133 = arith.constant 0 : index
        %get3A_134 = tpu.vector_load %arg15[%get3A, %get3A_133] {strides = array<i32>} : memref<512x32xf32, #tpu.memory_space<vmem>>, vector<1x16xf32>,
        %get3A_135 = vector.shape_cast %get3A_134 : vector<1x16xf32> to vector<16xf32>
        %get3A_136 = arith.index_cast %mul3A_132 : i32 to index
        %get3A_137 = arith.constant 0 : index
        %get3A_138 = tpu.vector_load %arg16[%get3A_136, %get3A_137] {strides = array<i32>} : memref<512x32xf32, #tpu.memory_space<vmem>>, vector<1x16xf32>,
        %get3A_139 = vector.shape_cast %get3A_138 : vector<1x16xf32> to vector<16xf32>
        %mul3A_140 = arith.mulf %get3A_135, %get3A_139 : vector<16xf32>
        %add3A_141 = arith.addf %scan3A_127, %mul3A_140 : vector<16xf32>
        %get3A_142 = arith.index_cast %mul3A_132 : i32 to index
        %get3A_143 = arith.constant 16 : index
        %get3A_144 = tpu.vector_load %arg15[%get3A_142, %get3A_143] {strides = array<i32>} : memref<512x32xf32, #tpu.memory_space<vmem>>, vector<1x16xf32>,
        %get3A_145 = vector.shape_cast %get3A_144 : vector<1x16xf32> to vector<16xf32>
        %get3A_146 = arith.index_cast %mul3A_132 : i32 to index
        %get3A_147 = arith.constant 16 : index
        %get3A_148 = tpu.vector_load %arg16[%get3A_146, %get3A_147] {strides = array<i32>} : memref<512x32xf32, #tpu.memory_space<vmem>>, vector<1x16xf32>,
        %get3A_149 = vector.shape_cast %get3A_148 : vector<1x16xf32> to vector<16xf32>
        %mul3A_150 = arith.mulf %get3A_145, %get3A_149 : vector<16xf32>
        %add3A_151 = arith.addf %scan3A_128, %mul3A_150 : vector<16xf32>
        %add3A_152 = arith.constant 1 : i32
        %add3A_153 = arith.addi %mul3A_132, %add3A_152 : i32
        %get3A_154 = arith.index_cast %add3A_153 : i32 to index
        %get3A_155 = arith.constant 0 : index
        %get3A_156 = tpu.vector_load %arg15[%get3A_154, %get3A_155] {strides = array<i32>} : memref<512x32xf32, #tpu.memory_space<vmem>>, vector<1x16xf32>,
        %get3A_157 = vector.shape_cast %get3A_156 : vector<1x16xf32> to vector<16xf32>
        %add3A_158 = arith.constant 1 : i32
        %add3A_159 = arith.addi %mul3A_132, %add3A_158 : i32
        %get3A_160 = arith.index_cast %add3A_159 : i32 to index
        %get3A_161 = arith.constant 0 : index
        %get3A_162 = tpu.vector_load %arg16[%get3A_160, %get3A_161] {strides = array<i32>} : memref<512x32xf32, #tpu.memory_space<vmem>>, vector<1x16xf32>,
        %get3A_163 = vector.shape_cast %get3A_162 : vector<1x16xf32> to vector<16xf32>
        %mul3A_164 = arith.mulf %get3A_157, %get3A_163 : vector<16xf32>
        %add3A_165 = arith.addf %scan3A_129, %mul3A_164 : vector<16xf32>
        %add3A_166 = arith.constant 1 : i32
        %add3A_167 = arith.addi %mul3A_132, %add3A_166 : i32
        %get3A_168 = arith.index_cast %add3A_167 : i32 to index
        %get3A_169 = arith.constant 16 : index
        %get3A_170 = tpu.vector_load %arg15[%get3A_168, %get3A_169] {strides = array<i32>} : memref<512x32xf32, #tpu.memory_space<vmem>>, vector<1x16xf32>,
        %get3A_171 = vector.shape_cast %get3A_170 : vector<1x16xf32> to vector<16xf32>
        %add3A_172 = arith.constant 1 : i32
        %add3A_173 = arith.addi %mul3A_132, %add3A_172 : i32
        %get3A_174 = arith.index_cast %add3A_173 : i32 to index
        %get3A_175 = arith.constant 16 : index
        %get3A_176 = tpu.vector_load %arg16[%get3A_174, %get3A_175] {strides = array<i32>} : memref<512x32xf32, #tpu.memory_space<vmem>>, vector<1x16xf32>,
        %get3A_177 = vector.shape_cast %get3A_176 : vector<1x16xf32> to vector<16xf32>
        %mul3A_178 = arith.mulf %get3A_171, %get3A_177 : vector<16xf32>
        %add3A_179 = arith.addf %scan3A_130, %mul3A_178 : vector<16xf32>
        %add3A_180 = arith.constant 2 : i32
        %add3A_181 = arith.addi %mul3A_132, %add3A_180 : i32
        %get3A_182 = arith.index_cast %add3A_181 : i32 to index
        %get3A_183 = arith.constant 0 : index
        %get3A_184 = tpu.vector_load %arg15[%get3A_182, %get3A_183] {strides = array<i32>} : memref<512x32xf32, #tpu.memory_space<vmem>>, vector<1x16xf32>,
        %get3A_185 = vector.shape_cast %get3A_184 : vector<1x16xf32> to vector<16xf32>
        %add3A_186 = arith.constant 2 : i32
        %add3A_187 = arith.addi %mul3A_132, %add3A_186 : i32
        %get3A_188 = arith.index_cast %add3A_187 : i32 to index
        %get3A_189 = arith.constant 0 : index
        %get3A_190 = tpu.vector_load %arg16[%get3A_188, %get3A_189] {strides = array<i32>} : memref<512x32xf32, #tpu.memory_space<vmem>>, vector<1x16xf32>,
        %get3A_191 = vector.shape_cast %get3A_190 : vector<1x16xf32> to vector<16xf32>
        %mul3A_192 = arith.mulf %get3A_185, %get3A_191 : vector<16xf32>
        %add3A_193 = arith.addf %add3A_141, %mul3A_192 : vector<16xf32>
        %add3A_194 = arith.constant 2 : i32
        %add3A_195 = arith.addi %mul3A_132, %add3A_194 : i32
        %get3A_196 = arith.index_cast %add3A_195 : i32 to index
        %get3A_197 = arith.constant 16 : index
        %get3A_198 = tpu.vector_load %arg15[%get3A_196, %get3A_197] {strides = array<i32>} : memref<512x32xf32, #tpu.memory_space<vmem>>, vector<1x16xf32>,
        %get3A_199 = vector.shape_cast %get3A_198 : vector<1x16xf32> to vector<16xf32>
        %add3A_200 = arith.constant 2 : i32
        %add3A_201 = arith.addi %mul3A_132, %add3A_200 : i32
        %get3A_202 = arith.index_cast %add3A_201 : i32 to index
        %get3A_203 = arith.constant 16 : index
        %get3A_204 = tpu.vector_load %arg16[%get3A_202, %get3A_203] {strides = array<i32>} : memref<512x32xf32, #tpu.memory_space<vmem>>, vector<1x16xf32>,
        %get3A_205 = vector.shape_cast %get3A_204 : vector<1x16xf32> to vector<16xf32>
        %mul3A_206 = arith.mulf %get3A_199, %get3A_205 : vector<16xf32>
        %add3A_207 = arith.addf %add3A_151, %mul3A_206 : vector<16xf32>
        %add3A_208 = arith.constant 3 : i32
        %add3A_209 = arith.addi %mul3A_132, %add3A_208 : i32
        %get3A_210 = arith.index_cast %add3A_209 : i32 to index
        %get3A_211 = arith.constant 0 : index
        %get3A_212 = tpu.vector_load %arg15[%get3A_210, %get3A_211] {strides = array<i32>} : memref<512x32xf32, #tpu.memory_space<vmem>>, vector<1x16xf32>,
        %get3A_213 = vector.shape_cast %get3A_212 : vector<1x16xf32> to vector<16xf32>
        %add3A_214 = arith.constant 3 : i32
        %add3A_215 = arith.addi %mul3A_132, %add3A_214 : i32
        %get3A_216 = arith.index_cast %add3A_215 : i32 to index
        %get3A_217 = arith.constant 0 : index
        %get3A_218 = tpu.vector_load %arg16[%get3A_216, %get3A_217] {strides = array<i32>} : memref<512x32xf32, #tpu.memory_space<vmem>>, vector<1x16xf32>,
        %get3A_219 = vector.shape_cast %get3A_218 : vector<1x16xf32> to vector<16xf32>
        %mul3A_220 = arith.mulf %get3A_213, %get3A_219 : vector<16xf32>
        %add3A_221 = arith.addf %add3A_165, %mul3A_220 : vector<16xf32>
        %add3A_222 = arith.constant 3 : i32
        %add3A_223 = arith.addi %mul3A_132, %add3A_222 : i32
        %get3A_224 = arith.index_cast %add3A_223 : i32 to index
        %get3A_225 = arith.constant 16 : index
        %get3A_226 = tpu.vector_load %arg15[%get3A_224, %get3A_225] {strides = array<i32>} : memref<512x32xf32, #tpu.memory_space<vmem>>, vector<1x16xf32>,
        %get3A_227 = vector.shape_cast %get3A_226 : vector<1x16xf32> to vector<16xf32>
        %add3A_228 = arith.constant 3 : i32
        %add3A_229 = arith.addi %mul3A_132, %add3A_228 : i32
        %get3A_230 = arith.index_cast %add3A_229 : i32 to index
        %get3A_231 = arith.constant 16 : index
        %get3A_232 = tpu.vector_load %arg16[%get3A_230, %get3A_231] {strides = array<i32>} : memref<512x32xf32, #tpu.memory_space<vmem>>, vector<1x16xf32>,
        %get3A_233 = vector.shape_cast %get3A_232 : vector<1x16xf32> to vector<16xf32>
        %mul3A_234 = arith.mulf %get3A_227, %get3A_233 : vector<16xf32>
        %add3A_235 = arith.addf %add3A_179, %mul3A_234 : vector<16xf32>
        scf.yield %add3A_193, %add3A_207, %add3A_221, %add3A_235 : vector<16xf32>, vector<16xf32>, vector<16xf32>, vector<16xf32>
      }
      %scan3A_119 = arith.constant 128 : i32
      %scan3A_120 = arith.constant 0 : i32
      %scan3A_121 = arith.constant 8 : i32
      %scan3A_122 = arith.addi %scan3A_120, %scan3A_121 : i32
      %scan3A_123 = arith.constant 1 : i32
      %scan3A_124:4 = scf.for %scan3A_126 = %scan3A_120 to %scan3A_122 step %scan3A_123 iter_args(%scan3A_127 = %scan3A_118#0, %scan3A_128 = %scan3A_118#1, %scan3A_129 = %scan3A_118#2, %scan3A_130 = %scan3A_118#3) -> (vector<16xf32>, vector<16xf32>, vector<16xf32>, vector<16xf32>)  : i32 {
        %mul3A_131 = arith.constant 4 : i32
        %mul3A_132 = arith.muli %scan3A_126, %mul3A_131 : i32
        %mul3A_133 = arith.constant 16 : i32
        %mul3A_134 = arith.muli %mul3A_132, %mul3A_133 : i32
        %get3A = arith.index_cast %mul3A_134 : i32 to index
        %get3A_135 = tpu.vector_load %arg17[%get3A] {strides = array<i32>} : memref<512xf32, #tpu.memory_space<vmem>>, vector<16xf32>,
        %get3A_136 = vector.shape_cast %get3A_135 : vector<16xf32> to vector<16xf32>
        %add3A_137 = arith.addf %scan3A_127, %get3A_136 : vector<16xf32>
        %get3A_138 = arith.index_cast %mul3A_134 : i32 to index
        %get3A_139 = tpu.vector_load %arg18[%get3A_138] {strides = array<i32>} : memref<512xf32, #tpu.memory_space<vmem>>, vector<16xf32>,
        %get3A_140 = vector.shape_cast %get3A_139 : vector<16xf32> to vector<16xf32>
        %add3A_141 = arith.addf %scan3A_128, %get3A_140 : vector<16xf32>
        %add3A_142 = arith.constant 16 : i32
        %add3A_143 = arith.addi %mul3A_134, %add3A_142 : i32
        %get3A_144 = arith.index_cast %add3A_143 : i32 to index
        %get3A_145 = tpu.vector_load %arg17[%get3A_144] {strides = array<i32>} : memref<512xf32, #tpu.memory_space<vmem>>, vector<16xf32>,
        %get3A_146 = vector.shape_cast %get3A_145 : vector<16xf32> to vector<16xf32>
        %add3A_147 = arith.addf %scan3A_129, %get3A_146 : vector<16xf32>
        %add3A_148 = arith.constant 16 : i32
        %add3A_149 = arith.addi %mul3A_134, %add3A_148 : i32
        %get3A_150 = arith.index_cast %add3A_149 : i32 to index
        %get3A_151 = tpu.vector_load %arg18[%get3A_150] {strides = array<i32>} : memref<512xf32, #tpu.memory_space<vmem>>, vector<16xf32>,
        %get3A_152 = vector.shape_cast %get3A_151 : vector<16xf32> to vector<16xf32>
        %add3A_153 = arith.addf %scan3A_130, %get3A_152 : vector<16xf32>
        %add3A_154 = arith.constant 32 : i32
        %add3A_155 = arith.addi %mul3A_134, %add3A_154 : i32
        %get3A_156 = arith.index_cast %add3A_155 : i32 to index
        %get3A_157 = tpu.vector_load %arg17[%get3A_156] {strides = array<i32>} : memref<512xf32, #tpu.memory_space<vmem>>, vector<16xf32>,
        %get3A_158 = vector.shape_cast %get3A_157 : vector<16xf32> to vector<16xf32>
        %add3A_159 = arith.addf %add3A_137, %get3A_158 : vector<16xf32>
        %add3A_160 = arith.constant 32 : i32
        %add3A_161 = arith.addi %mul3A_134, %add3A_160 : i32
        %get3A_162 = arith.index_cast %add3A_161 : i32 to index
        %get3A_163 = tpu.vector_load %arg18[%get3A_162] {strides = array<i32>} : memref<512xf32, #tpu.memory_space<vmem>>, vector<16xf32>,
        %get3A_164 = vector.shape_cast %get3A_163 : vector<16xf32> to vector<16xf32>
        %add3A_165 = arith.addf %add3A_141, %get3A_164 : vector<16xf32>
        %add3A_166 = arith.constant 48 : i32
        %add3A_167 = arith.addi %mul3A_134, %add3A_166 : i32
        %get3A_168 = arith.index_cast %add3A_167 : i32 to index
        %get3A_169 = tpu.vector_load %arg17[%get3A_168] {strides = array<i32>} : memref<512xf32, #tpu.memory_space<vmem>>, vector<16xf32>,
        %get3A_170 = vector.shape_cast %get3A_169 : vector<16xf32> to vector<16xf32>
        %add3A_171 = arith.addf %add3A_147, %get3A_170 : vector<16xf32>
        %add3A_172 = arith.constant 48 : i32
        %add3A_173 = arith.addi %mul3A_134, %add3A_172 : i32
        %get3A_174 = arith.index_cast %add3A_173 : i32 to index
        %get3A_175 = tpu.vector_load %arg18[%get3A_174] {strides = array<i32>} : memref<512xf32, #tpu.memory_space<vmem>>, vector<16xf32>,
        %get3A_176 = vector.shape_cast %get3A_175 : vector<16xf32> to vector<16xf32>
        %add3A_177 = arith.addf %add3A_153, %get3A_176 : vector<16xf32>
        scf.yield %add3A_159, %add3A_165, %add3A_171, %add3A_177 : vector<16xf32>, vector<16xf32>, vector<16xf32>, vector<16xf32>
      }
      %scan3A_125 = arith.constant 8 : i32
      scf.yield %scan3A_124#0, %scan3A_124#1, %scan3A_124#2, %scan3A_124#3 : vector<16xf32>, vector<16xf32>, vector<16xf32>, vector<16xf32>
    }
    %scan3A_25 = arith.constant 25 : i32
    %add3A_26 = arith.addf %scan3A_24#0, %scan3A_24#1 : vector<16xf32>
    %add3A_27 = arith.addf %add3A_26, %scan3A_24#2 : vector<16xf32>
    %add3A_28 = arith.addf %add3A_27, %scan3A_24#3 : vector<16xf32>
    %swap3A = arith.constant 0 : index
    %swap3A_29 = tpu.vector_load %arg19[%swap3A] {strides = array<i32>} : memref<16xf32, #tpu.memory_space<vmem>>, vector<16xf32>,
    %swap3A_30 = vector.shape_cast %swap3A_29 : vector<16xf32> to vector<16xf32>
    %swap3A_31 = vector.shape_cast %add3A_28 : vector<16xf32> to vector<16xf32>
    tpu.vector_store %arg19[%swap3A], %swap3A_31 {strides = array<i32>} : memref<16xf32, #tpu.memory_space<vmem>>, vector<16xf32>,
    "tpu.region"() ({
      %run_scoped3A = tpu.sem_alloc : memref<!tpu.dma_semaphore, #tpu.memory_space<semaphore_mem>>
      %dma_start3A_32 = arith.constant 0 : i32
      %dma_start3A_33 = tpu.memref_slice %arg8[%add3A, %dma_start3A_32] : memref<32x16xf32, #tpu.memory_space<hbm>> -> memref<1x16xf32, #tpu.memory_space<hbm>>
      %dma_start3A_34 = tpu.memref_squeeze %dma_start3A_33 : memref<1x16xf32, #tpu.memory_space<hbm>> -> memref<16xf32, #tpu.memory_space<hbm>>
      %dma_start3A_35 = arith.constant 0 : i32
      %dma_start3A_36 = tpu.memref_slice %arg8[%add3A, %dma_start3A_35] : memref<32x16xf32, #tpu.memory_space<hbm>> -> memref<1x16xf32, #tpu.memory_space<hbm>>
      %dma_start3A_37 = tpu.memref_squeeze %dma_start3A_36 : memref<1x16xf32, #tpu.memory_space<hbm>> -> memref<16xf32, #tpu.memory_space<hbm>>
      tpu.enqueue_dma source(%arg19 : memref<16xf32, #tpu.memory_space<vmem>>) target(%dma_start3A_37 : memref<16xf32, #tpu.memory_space<hbm>>) target_semaphore(%run_scoped3A : memref<!tpu.dma_semaphore, #tpu.memory_space<semaphore_mem>>)
      %dma_wait3A = arith.constant 0 : i32
      %dma_wait3A_38 = tpu.memref_slice %arg8[%add3A, %dma_wait3A] : memref<32x16xf32, #tpu.memory_space<hbm>> -> memref<1x16xf32, #tpu.memory_space<hbm>>
      %dma_wait3A_39 = tpu.memref_squeeze %dma_wait3A_38 : memref<1x16xf32, #tpu.memory_space<hbm>> -> memref<16xf32, #tpu.memory_space<hbm>>
      %dma_wait3A_40 = arith.constant 0 : i32
      %dma_wait3A_41 = tpu.memref_slice %arg8[%add3A, %dma_wait3A_40] : memref<32x16xf32, #tpu.memory_space<hbm>> -> memref<1x16xf32, #tpu.memory_space<hbm>>
      %dma_wait3A_42 = tpu.memref_squeeze %dma_wait3A_41 : memref<1x16xf32, #tpu.memory_space<hbm>> -> memref<16xf32, #tpu.memory_space<hbm>>
      tpu.wait_dma2 semaphore(%run_scoped3A : memref<!tpu.dma_semaphore, #tpu.memory_space<semaphore_mem>>) src(%arg19 : memref<16xf32, #tpu.memory_space<vmem>>) dst(%dma_wait3A_42 : memref<16xf32, #tpu.memory_space<hbm>>)
      tpu.yield
    }) : () -> ()
    return
  }
}

</mosaic_0001>

<sc_bundles>
// kernel: kernel.3.cloned.1.call-start
scs
__scs_entry_jumppad:
0x0: {  	(pc) =	sbr.rel $0x88, $3  }
0x1: {  	(tag) =	ssettag $0x0;
	lr =	simm.s32 $0x1  }
0x2: {  	[smem:$0x3F9B] =	sst lr;
	_ =	strace $0xD0000000  }
0x3: {  	_ = 	snop  }
0x4: {  	_ = 	snop  }
0x5: {  	_ = 	snop  }
0x6: {  	_ = 	snop  }
0x7: {  	_ = 	snop  }
__scs_overlays_trampoline_lowered:
0x8: {  	[smem:$0x3FAA] =	sst s0  }
0x9: {  	[smem:$0x3FAB] =	sst s1  }
0xa: {  	[smem:$0x3FAC] =	sst s2  }
0xb: {  	[smem:$0x3FAD] =	sst s3  }
0xc: {  	[smem:$0x3FAE] =	sst s4  }
0xd: {  	[smem:$0x3FAF] =	sst s5  }
0xe: {  	[smem:$0x3FB0] =	sst s6  }
0xf: {  	[smem:$0x3FB1] =	sst s7  }
0x10: {  	[smem:$0x3FB2] =	sst s8  }
0x11: {  	[smem:$0x3FB3] =	sst s9;
	s0 =	simm.s32 @!p0 $0x0  }
0x12: {  	s1 =	sld [smem:$0x3F99];
	s0 =	simm.s32 @p0 $0x1  }
0x13: {  	[smem:$0x3FB4] =	sst s0;
	s0 =	simm.s32 @!p1 $0x0  }
0x14: {  	s2 =	sld [smem:$0x3F98];
	s0 =	simm.s32 @p1 $0x1  }
0x15: {  	[smem:$0x3FB5] =	sst s0;
	s0 =	simm.s32 @!p2 $0x0  }
0x16: {  	s3 =	sld [smem:$0x3FDB];
	s0 =	simm.s32 @p2 $0x1  }
0x17: {  	s4 =	simm.s32 $0x1BF5;
	[smem:$0x3FB7] =	sst s0  }
0x18: {  	s0 =	sld [smem:$0x3F9A];
	_ =	swait.ge [sflag:s4], $0x0  }
0x19: {  	s7 =	sld [smem:$0x3F9B]  }
0x1a: {  	s8 =	sadd.s32 $0xFFFFE003, lr  }
0x1b: {  	s9 =	sadd.s32 $0xFFFFFEF7, lr;
	s5 =	simm.s32 $0xFFFFFFFF;
	p2 =	slt.u32 s8, $0xFFFFF086  }
0x1c: {  	p1 =	slt.u32 s9, $0xF7A;
	s5 =	simm.s32 @!p2 $0x0  }
0x1d: {  	s5 =	simm.s32 @p1 $0x1;
	p0 =	seq.s32 s7, s2  }
0x1e: {  	s7 =	smul.u32 @!p0 $0xF7A, s2;
	p2 =	seq.s32 @!p0 s5, $0x0  }
0x1f: {  	s9 =	smul.u32 $0xF7A, s1;
	s8 =	simm.s32 @!p0 $0x1BF5;
	p2 =	por !p2, p0  }
0x20: {  	[sflag:s8] =	ssyncset.s32 @!p0 $0xFFFFF086;
	s6 =	sadd.s32 @!p0 s3, s7;
	s7 =	simm.s32 @!p0 $0x108  }
0x21: {  	s3 =	sadd.s32 s3, s9;
	s6 =	sadd.s32 @!p0 $0x88, s6;
	s7 =	simm.s32 @p2 $0x1082  }
0x22: {  	[simem:s7], [sflag:s8] =	dma.local @!p0 [hbm:s6], $0xF7A  }
0x23: {  	s9 =	sor.u32 $0xD0000000, s2;
	s6 =	simm.s32 $0x108;
	_ =	swait.ge @!p0 [sflag:s8], $0x0  }
0x24: {  	s3 =	sadd.s32 $0x88, s3;
	s6 =	simm.s32 @!p1 $0x1082;
	[sflag:s4] =	ssyncset.s32 $0xFFFFF086  }
0x25: {  	[simem:s6], [sflag:s4] =	dma.local [hbm:s3], $0xF7A  }
0x26: {  	[smem:$0x3F9B] =	sst s1;
	(tag) =	ssettag s2;
	_ =	strace s9  }
0x27: {  	s1 =	sld [smem:$0x3FAB]  }
0x28: {  	s2 =	sld [smem:$0x3FAC]  }
0x29: {  	s4 =	sld [smem:$0x3FAE]  }
0x2a: {  	p0 =	seq.s32 s5, $0x0;
	s5 =	sld [smem:$0x3FAF]  }
0x2b: {  	s6 =	sld [smem:$0x3FB0]  }
0x2c: {  	s7 =	sld [smem:$0x3FB1]  }
0x2d: {  	s3 =	simm.s32 $0x108;
	s8 =	sld [smem:$0x3FB2]  }
0x2e: {  	s3 =	simm.s32 @!p0 $0x1082;
	s9 =	sld [smem:$0x3FB3]  }
0x2f: {  	lr =	sadd.s32 s0, s3;
	s0 =	sld [smem:$0x3FAA]  }
0x30: {  	s3 =	sld [smem:$0x3FAD]  }
0x31: {  	[smem:$0x3FB6] =	sst s10  }
0x32: {  	s10 =	sld [smem:$0x3FB4];
	_ =	sdelay $0x3  }
0x33: {  	p0 =	seq.s32 s10, $0x1;
	s10 =	sld [smem:$0x3FB6];
	_ =	sdelay $0x3  }
0x34: {  	[smem:$0x3FB6] =	sst s10  }
0x35: {  	s10 =	sld [smem:$0x3FB5];
	_ =	sdelay $0x3  }
0x36: {  	p1 =	seq.s32 s10, $0x1;
	s10 =	sld [smem:$0x3FB6];
	_ =	sdelay $0x3  }
0x37: {  	[smem:$0x3FB6] =	sst s10  }
0x38: {  	s10 =	sld [smem:$0x3FB7]  }
0x39: {  	_ = 	snop;
	(pc) =	sbr.ind lr, $3  }
0x3a: {  	_ = 	snop  }
0x3b: {  	_ = 	snop  }
0x3c: {  	p2 =	seq.s32 s10, $0x1;
	s10 =	sld [smem:$0x3FB6]  }
0x3d: {  	_ =	shalt  }
0x3e: {  	_ =	shalt  }
0x3f: {  	_ =	shalt  }
0x40: {  	_ =	shalt  }
0x41: {  	_ =	shalt  }
0x42: {  	_ =	shalt  }
0x43: {  	_ =	shalt  }
0x44: {  	_ =	shalt  }
0x45: {  	_ =	shalt  }
0x46: {  	_ =	shalt  }
0x47: {  	_ =	shalt  }
0x48: {  	_ =	shalt  }
0x49: {  	_ =	shalt  }
0x4a: {  	_ =	shalt  }
0x4b: {  	_ =	shalt  }
0x4c: {  	_ =	shalt  }
0x4d: {  	_ =	shalt  }
0x4e: {  	_ =	shalt  }
0x4f: {  	_ =	shalt  }
0x50: {  	_ =	shalt  }
0x51: {  	_ =	shalt  }
0x52: {  	_ =	shalt  }
0x53: {  	_ =	shalt  }
0x54: {  	_ =	shalt  }
0x55: {  	_ =	shalt  }
0x56: {  	_ =	shalt  }
0x57: {  	_ =	shalt  }
0x58: {  	_ =	shalt  }
0x59: {  	_ =	shalt  }
0x5a: {  	_ =	shalt  }
0x5b: {  	_ =	shalt  }
0x5c: {  	_ =	shalt  }
0x5d: {  	_ =	shalt  }
0x5e: {  	_ =	shalt  }
0x5f: {  	_ =	shalt  }
0x60: {  	_ =	shalt  }
0x61: {  	_ =	shalt  }
0x62: {  	_ =	shalt  }
0x63: {  	_ =	shalt  }
0x64: {  	_ =	shalt  }
0x65: {  	_ =	shalt  }
0x66: {  	_ =	shalt  }
0x67: {  	_ =	shalt  }
0x68: {  	_ =	shalt  }
0x69: {  	_ =	shalt  }
0x6a: {  	_ =	shalt  }
0x6b: {  	_ =	shalt  }
0x6c: {  	_ =	shalt  }
0x6d: {  	_ =	shalt  }
0x6e: {  	_ =	shalt  }
0x6f: {  	_ =	shalt  }
0x70: {  	_ =	shalt  }
0x71: {  	_ =	shalt  }
0x72: {  	_ =	shalt  }
0x73: {  	_ =	shalt  }
0x74: {  	_ =	shalt  }
0x75: {  	_ =	shalt  }
0x76: {  	_ =	shalt  }
0x77: {  	_ =	shalt  }
0x78: {  	_ =	shalt  }
0x79: {  	_ =	shalt  }
0x7a: {  	_ =	shalt  }
0x7b: {  	_ =	shalt  }
0x7c: {  	_ =	shalt  }
0x7d: {  	_ =	shalt  }
0x7e: {  	_ =	shalt  }
0x7f: {  	_ =	shalt  }
0x80: {  	_ =	shalt  }
0x81: {  	_ =	shalt  }
0x82: {  	_ =	shalt  }
0x83: {  	_ =	shalt  }
0x84: {  	_ =	shalt  }
0x85: {  	_ =	shalt  }
0x86: {  	_ =	shalt  }
0x87: {  	_ =	shalt  }
.Lfunc_end0:
.L_simem_size_0:
called_computation_lowered:
.L_overlay_start_0:
0x88: {  	s2 =	sld [smem:$0x3FD9]  }
0x89: {  	s3 =	sld [smem:$0x3FFE];
	_ =	sdelay $0x1  }
0x8a: {  	s1 =	srdreg.scid  }
0x8b: {  	s0 =	sand.u32 $0x1, s1  }
0x8c: {  	s16 =	sshll.u32 s0, $0xA;
	s2 =	sadd.s32 s3, s2  }
0x8d: {  	s2 =	sadd.s32 s2, s16  }
0x8e: {  	[smem:$0x3FC2] =	sst s2  }
0x8f: {  	_ = 	snop  }
0x90: {  	(tm) =	ssettm $0x1  }
0x91: {  	s17 =	sld [smem:$0x3FFB];
	_ =	sdelay $0x3  }
0x92: {  	_ =	strace s17  }
0x93: {  	s2 =	sld [smem:$0x3FFC];
	_ =	sdelay $0x3  }
0x94: {  	_ =	strace s2  }
0x95: {  	s2 =	sld [smem:$0x3FFD];
	_ =	sdelay $0x3  }
0x96: {  	_ =	strace s2  }
0x97: {  	_ =	strace $0x8FFFFFFF  }
0x98: {  	s18 =	sld [smem:$0x3FDB];
	_ =	sdelay $0x1  }
0x99: {  	s19 =	simm.s32 $_scs_section_size  }
0x9a: {  	s4 =	simm.s32 $_size__tile_overlayer_lowered;
	s5 =	simm.s32 $_tile_overlayer_lowered  }
0x9b: {  	s22 =	simm.s32 $0x1BFF;
	s21 =	sshll.u32 s5, $0x1;
	s2 =	sadd.s32 s19, s18  }
0x9c: {  	s6 =	simm.s32 $0x0;
	s20 =	sshll.u32 s4, $0x1;
	s4 =	sadd.s32 s21, s2  }
0x9d: {  	[timem:s6], [sflag:s22] =	dma.local [hbm:s4], s20  }
0x9e: {  	_ =	swait.ge [sflag:s22], s20  }
0x9f: {  	s3 =	ssub.s32 $0x0, s20;
	[sflag:s22] =	ssyncset.done $0x0  }
0xa0: {  	[sflag:s22] =	ssyncadd.s32 s3;
	_ =	sdelay $0x1  }
0xa1: {  	s23 =	simm.s32 $0x1B8B  }
0xa2: {  	_ =	swait.ge [sflag:s23], $0x1  }
0xa3: {  	[sflag:s23] =	ssyncset.done $0x0  }
0xa4: {  	s25 =	simm.s32 $0x1B8E;
	s24 =	sld [smem:$0x3FFE];
	[sflag:s23] =	ssyncadd.s32 $0xFFFFFFFF  }
0xa5: {  	s26 =	simm.s32 $execute0_lowered;
	[smem:$0x3FD2] =	sst s25  }
0xa6: {  	s4 =	sshll.u32 s26, $0x1;
	_ =	strace $0x80000046;
	[dreg:$0x1] =	wrdreg $0xFFFFFFFF  }
0xa7: {  	s28 =	simm.s32 $_size_execute0_lowered;
	s2 =	sadd.s32 s2, s4;
	[dreg:$0x0] =	wrdreg $0x0  }
0xa8: {  	s4 =	sshll.u32 s28, $0x1;
	[dreg:$0x2] =	wrdreg s2  }
0xa9: {  	[dreg:$0x3] =	wrdreg s4  }
0xaa: {  	[dreg:$0x4] =	wrdreg $0xC0  }
0xab: {  	_ =	task [dreg:s6], $0x5FFFF  }
0xac: {  	[dreg:$0x1] =	wrdreg $0xFFFFFFFF  }
0xad: {  	[dreg:$0x0] =	wrdreg $0x60  }
0xae: {  	[dreg:$0x2] =	wrdreg s24  }
0xaf: {  	[dreg:$0x3] =	wrdreg $0x9  }
0xb0: {  	_ =	task.clear_ibuf [dreg:s6], $0x4FFFF;
	_ =	strace $0x90000046  }
0xb1: {  	s29 =	simm.s32 $0x9;
	_ =	strace $0x80000048  }
0xb2: {  	_ =	swait.ge [sflag:s29], $0x1  }
0xb3: {  	[sflag:s29] =	ssyncadd.s32 $0xFFFFFFFF  }
0xb4: {  	_ =	strace $0x90000048  }
0xb5: {  	_ =	sfence  }
0xb6: {  	s30 =	sld [smem:$0x0];
	_ =	sdelay $0x2  }
0xb7: {  	s31 =	sshll.u32 s1, $0xD;
	s1 =	sshrl.u32 s1, $0x2  }
0xb8: {  	s3 =	sand.u32 $0x4000, s31;
	s1 =	sadd.s32 s1, s30  }
0xb9: {  	s0 =	sor.u32 s3, s0;
	s1 =	sshll.u32 s1, $0x11  }
0xba: {  	s0 =	sor.u32 s1, s0  }
0xbb: {  	s0 =	sadd.s32 $0x8F2B, s0  }
0xbc: {  	[sflag:s0] =	ssyncadd.remote.s32 $0x1  }
0xbd: {  	_ =	sfence.sel $0xFFFF  }
0xbe: {  	[dreg:$0x0] =	wrdreg $0xFFFFFFFF;
	(pc) =	sbr.abs _section_cstart, $3  }
0xbf: {  	[dreg:$0x1] =	wrdreg $0xFFFFFFFF  }
0xc0: {  	_ =	task.clear_ibuf [dreg:s6], $0x2FFFF;
	_ =	strace $0x9FFFFFFF  }
0xc1: {  	(tm) =	ssettm $0x7FFFFFFF  }
tec
execute0_lowered:
.L_overlay_start_1:
0x0: {  	(tag) =	ssettag $0x1  }
0x1: {  	s7 =	rddreg [dreg:$0x0]  }
0x2: {  	s0 =	rddreg [dreg:$0x1];
	s2 =	simm.s32 $0x0  }
0x3: {  	s3 =	srdreg.scid;
	s1 =	stileid.u32;
	s13 =	simm.s32 $0x200  }
0x4: {  	s14 =	simm.s32 $0xC800;
	s15 =	simm.s32 $0x10800;
	s16 =	simm.s32 $0x14800  }
0x5: {  	s17 =	simm.s32 $0x14A00;
	s18 =	simm.s32 $0x14C00;
	s19 =	simm.s32 $0x18C00  }
0x6: {  	s20 =	simm.s32 $0x1CC00;
	s21 =	simm.s32 $0x1CE00;
	s22 =	simm.s32 $0x1  }
0x7: {  	s23 =	simm.s32 $0x2;
	s24 =	simm.s32 $0x1D000;
	s25 =	simm.s32 $0x0  }
0x8: {  	[smem:$0x7FF] =	sst s2;
	s6 =	sand.u32 $0x1, s3;
	s3 =	sadd.s32 $0x1312E00, s7  }
0x9: {  	s5 =	sshll.u32 s1, $0x1;
	s4 =	sadd.s32 $0xF42400, s7;
	_ =	strace $0x80000047  }
0xa: {  	s8 =	sor.u32 s6, s5;
	s5 =	sadd.s32 $0x50A00, s7;
	s9 =	ssub.s32 $0x2, s6  }
0xb: {  	s10 =	smul.u32 $0xC80, s8;
	s8 =	sshll.u32 s8, $0x1;
	s11 =	sshrl.u32 s9, $0x1  }
0xc: {  	s6 =	sadd.s32 $0x32000, s7;
	s12 =	sadd.s32 s8, s7;
	s11 =	ssub.s32 s9, s11  }
0xd: {  	s7 =	sadd.s32 s7, s10;
	s9 =	sadd.s32 $0x6F400, s12;
	s10 =	smax.u32 s11, $0x1  }
0xe: {  	s11 =	simm.s32 $0x3;
	s12 =	simm.s32 $0x6400;
	s8 =	sadd.s32 $0x19000, s7  }
.LBB2_1:
0xf: {  	[tilespmem:s2], [sflag:$0x3] =	stream.linear.gather [hbm4b:s8+s2], $0x6400, $0x38;
	[tilespmem:$0x1D010] =	vst v63  }
0x10: {  	_ =	swait.ge [sflag:s11], $0x6400  }
0x11: {  	[sflag:s11] =	ssyncset.done $0x0  }
0x12: {  	[sflag:s11] =	ssyncadd.s32 $0xFFFF9C00  }
0x13: {  	[tilespmem:s12], [sflag:$0x3] =	stream.linear.gather [hbm4b:s7+s2], $0x6400, $0x38;
	[tilespmem:$0x1D010] =	vst v63  }
0x14: {  	_ =	swait.ge [sflag:s11], $0x6400  }
0x15: {  	[sflag:s11] =	ssyncset.done $0x0  }
0x16: {  	[sflag:s11] =	ssyncadd.s32 $0xFFFF9C00  }
0x17: {  	[tilespmem:s14], [sflag:$0x1] =	stream.indirect.gather [hbm4b:s3+s13], $0x20, s2, s13, $0xb8;
	[tilespmem:$0x1D010] =	vst v63  }
0x18: {  	_ = 	snop  }
0x19: {  	[tilespmem:s15], [sflag:$0x1] =	stream.indirect.gather [hbm4b:s4+s13], $0x20, s12, s13, $0xb8;
	[tilespmem:$0x1D010] =	vst v63  }
0x1a: {  	_ = 	snop  }
0x1b: {  	[tilespmem:s16], [sflag:$0x1] =	stream.indirect.gather [hbm4b:s5+s13], $0x1, s2, s13, $0xb8;
	[tilespmem:$0x1D010] =	vst v63  }
0x1c: {  	v0 =	vimm.f32 $0.0e+00;
	s26 =	simm.s32 $0x0  }
0x1d: {  	v1 =	vimm.f32 $0.0e+00;
	v2 =	vimm.f32 $0.0e+00;
	v3 =	vimm.f32 $0.0e+00;
	[tilespmem:s17], [sflag:$0x1] =	stream.indirect.gather [hbm4b:s6+s13], $0x1, s12, s13, $0xb8;
	[tilespmem:$0x1D010] =	vst v63  }
.LBB2_2:
0x1e: {  	s28 =	sshll.u32 s26, $0xA  }
0x1f: {  	s29 =	sor.u32 $0x200, s28  }
0x20: {  	[tilespmem:s18], [sflag:$0x2] =	stream.indirect.gather [hbm4b:s3+s13], $0x20, s29, s13, $0xb8;
	[tilespmem:$0x1D010] =	vst v63  }
0x21: {  	s30 =	sadd.s32 $0x6600, s28  }
0x22: {  	[tilespmem:s19], [sflag:$0x2] =	stream.indirect.gather [hbm4b:s4+s13], $0x20, s30, s13, $0xb8;
	[tilespmem:$0x1D010] =	vst v63  }
0x23: {  	_ = 	snop  }
0x24: {  	[tilespmem:s20], [sflag:$0x2] =	stream.indirect.gather [hbm4b:s5+s13], $0x1, s29, s13, $0xb8;
	[tilespmem:$0x1D010] =	vst v63  }
0x25: {  	_ = 	snop  }
0x26: {  	[tilespmem:s21], [sflag:$0x2] =	stream.indirect.gather [hbm4b:s6+s13], $0x1, s30, s13, $0xb8;
	[tilespmem:$0x1D010] =	vst v63  }
0x27: {  	_ =	swait.ge [sflag:s22], $0x4000  }
0x28: {  	[sflag:s22] =	ssyncset.done $0x0  }
0x29: {  	[sflag:s22] =	ssyncadd.s32 $0xFFFFC000  }
0x2a: {  	_ =	swait.ge [sflag:s22], $0x4000  }
0x2b: {  	[sflag:s22] =	ssyncset.done $0x0  }
0x2c: {  	[sflag:s22] =	ssyncadd.s32 $0xFFFFC000  }
0x2d: {  	_ =	swait.ge [sflag:s22], $0x200  }
0x2e: {  	[sflag:s22] =	ssyncset.done $0x0  }
0x2f: {  	[sflag:s22] =	ssyncadd.s32 $0xFFFFFE00  }
0x30: {  	_ =	swait.ge [sflag:s22], $0x200  }
0x31: {  	[sflag:s22] =	ssyncset.done $0x0  }
0x32: {  	s29 =	simm.s32 $0x0;
	[sflag:s22] =	ssyncadd.s32 $0xFFFFFE00  }
0x33: {  	v5 =	vld [tilespmem:s29+$0xC840]  }
0x34: {  	v7 =	vld [tilespmem:s29+$0x10840]  }
0x35: {  	v8 =	vld [tilespmem:s29+$0xC850]  }
0x36: {  	v9 =	vld [tilespmem:s29+$0x10850]  }
0x37: {  	v4 =	vld [tilespmem:s29+$0xC860]  }
0x38: {  	v6 =	vld [tilespmem:s29+$0x10860]  }
0x39: {  	v10 =	vld [tilespmem:s29+$0xC800]  }
0x3a: {  	v11 =	vld [tilespmem:s29+$0x10800]  }
0x3b: {  	v12 =	vld [tilespmem:s29+$0xC810]  }
0x3c: {  	v14 =	vld [tilespmem:s29+$0x10810]  }
0x3d: {  	v13 =	vld [tilespmem:s29+$0xC820]  }
0x3e: {  	v15 =	vld [tilespmem:s29+$0x10820]  }
0x3f: {  	s30 =	simm.s32 $0x200;
	v16 =	vld [tilespmem:s29+$0xC830]  }
.LBB2_3:
0x40: {  	p0 =	sne.s32 s30, $0xFE00;
	v17 =	vld [tilespmem:s29+$0x10830]  }
0x41: {  	v18 =	vld [tilespmem:s29+$0xC870]  }
0x42: {  	v19 =	vld [tilespmem:s29+$0x10870];
	s29 =	sshra.s32 s30, $0x2  }
0x43: {  	v20 =	vmul.f32 v7, v5;
	v21 =	vmul.f32 v9, v8;
	v5 =	vld [tilespmem:s29+$0xC840]  }
0x44: {  	v10 =	vmul.f32 v11, v10;
	v11 =	vmul.f32 v14, v12;
	v7 =	vld [tilespmem:s29+$0x10840]  }
0x45: {  	v12 =	vmul.f32 v15, v13;
	v8 =	vld [tilespmem:s29+$0xC850];
	v13 =	vmul.f32 v17, v16  }
0x46: {  	v3 =	vadd.f32 v10, v3;
	v2 =	vadd.f32 v11, v2;
	v11 =	vmul.f32 v6, v4;
	v9 =	vld [tilespmem:s29+$0x10850]  }
0x47: {  	v1 =	vadd.f32 v12, v1;
	v4 =	vld [tilespmem:s29+$0xC860];
	v0 =	vadd.f32 v13, v0;
	v12 =	vmul.f32 v19, v18  }
0x48: {  	v3 =	vadd.f32 v20, v3;
	v2 =	vadd.f32 v21, v2;
	v6 =	vld [tilespmem:s29+$0x10860]  }
0x49: {  	v1 =	vadd.f32 v11, v1;
	v10 =	vld [tilespmem:s29+$0xC800];
	v0 =	vadd.f32 v12, v0  }
0x4a: {  	v11 =	vld [tilespmem:s29+$0x10800]  }
.Ltmp0:
0x4b: {  	v12 =	vld [tilespmem:s29+$0xC810];
	(pc) =	sbr.rel @p0 .LBB2_3-.Ltmp0, $4  }
0x4c: {  	v14 =	vld [tilespmem:s29+$0x10810]  }
0x4d: {  	v13 =	vld [tilespmem:s29+$0xC820]  }
0x4e: {  	v15 =	vld [tilespmem:s29+$0x10820]  }
0x4f: {  	s30 =	sadd.s32 $0x200, s30;
	v16 =	vld [tilespmem:s29+$0xC830]  }
0x50: {  	v17 =	vld [tilespmem:s29+$0x10830]  }
0x51: {  	v62 =	vld [tilespmem:$0x14950]  }
0x52: {  	v18 =	vld [tilespmem:s29+$0xC870]  }
0x53: {  	v19 =	vld [tilespmem:s29+$0x10870]  }
0x54: {  	v20 =	vld [tilespmem:$0x14800]  }
0x55: {  	v21 =	vld [tilespmem:$0x14A00]  }
0x56: {  	[tilespmem:$0x1FF20] =	vst v62;
	v62 =	vld [tilespmem:$0x14960]  }
0x57: {  	v22 =	vld [tilespmem:$0x14810]  }
0x58: {  	v23 =	vld [tilespmem:$0x14A10]  }
0x59: {  	v24 =	vld [tilespmem:$0x14820]  }
0x5a: {  	v25 =	vld [tilespmem:$0x14A20]  }
0x5b: {  	[tilespmem:$0x1FF30] =	vst v62;
	v62 =	vld [tilespmem:$0x14B60]  }
0x5c: {  	v26 =	vld [tilespmem:$0x14830]  }
0x5d: {  	v27 =	vld [tilespmem:$0x14A30]  }
0x5e: {  	v28 =	vld [tilespmem:$0x14840]  }
0x5f: {  	v29 =	vld [tilespmem:$0x14A40]  }
0x60: {  	[tilespmem:$0x1FF40] =	vst v62;
	v62 =	vld [tilespmem:$0x14970]  }
0x61: {  	v30 =	vld [tilespmem:$0x14850]  }
0x62: {  	v31 =	vld [tilespmem:$0x14A50]  }
0x63: {  	v32 =	vld [tilespmem:$0x14860]  }
0x64: {  	v33 =	vld [tilespmem:$0x14A60]  }
0x65: {  	[tilespmem:$0x1FF50] =	vst v62;
	v62 =	vld [tilespmem:$0x14B70]  }
0x66: {  	v34 =	vld [tilespmem:$0x14870]  }
0x67: {  	v35 =	vld [tilespmem:$0x14A70]  }
0x68: {  	v36 =	vld [tilespmem:$0x14880]  }
0x69: {  	v37 =	vld [tilespmem:$0x14A80]  }
0x6a: {  	[tilespmem:$0x1FF60] =	vst v62;
	v62 =	vld [tilespmem:$0x14980]  }
0x6b: {  	v38 =	vld [tilespmem:$0x14890]  }
0x6c: {  	v39 =	vld [tilespmem:$0x14A90]  }
0x6d: {  	v40 =	vld [tilespmem:$0x148A0]  }
0x6e: {  	v41 =	vld [tilespmem:$0x14AA0]  }
0x6f: {  	[tilespmem:$0x1FF70] =	vst v62;
	v62 =	vld [tilespmem:$0x14B80]  }
0x70: {  	v42 =	vld [tilespmem:$0x148B0]  }
0x71: {  	v43 =	vld [tilespmem:$0x14AB0]  }
0x72: {  	v44 =	vld [tilespmem:$0x148C0]  }
0x73: {  	v45 =	vld [tilespmem:$0x14AC0]  }
0x74: {  	[tilespmem:$0x1FF80] =	vst v62;
	v62 =	vld [tilespmem:$0x14990]  }
0x75: {  	v46 =	vld [tilespmem:$0x148D0]  }
0x76: {  	v47 =	vld [tilespmem:$0x14AD0]  }
0x77: {  	v48 =	vld [tilespmem:$0x148E0]  }
0x78: {  	v49 =	vld [tilespmem:$0x14AE0]  }
0x79: {  	[tilespmem:$0x1FF90] =	vst v62;
	v62 =	vld [tilespmem:$0x14B90]  }
0x7a: {  	v50 =	vld [tilespmem:$0x148F0]  }
0x7b: {  	v51 =	vld [tilespmem:$0x14AF0]  }
0x7c: {  	v52 =	vld [tilespmem:$0x14900]  }
0x7d: {  	v53 =	vld [tilespmem:$0x14B00]  }
0x7e: {  	[tilespmem:$0x1FFA0] =	vst v62;
	v62 =	vld [tilespmem:$0x149A0]  }
0x7f: {  	v54 =	vld [tilespmem:$0x14910]  }
0x80: {  	v55 =	vld [tilespmem:$0x14B10]  }
0x81: {  	v56 =	vld [tilespmem:$0x14920]  }
0x82: {  	v57 =	vld [tilespmem:$0x14B20]  }
0x83: {  	[tilespmem:$0x1FFB0] =	vst v62;
	v62 =	vld [tilespmem:$0x14BA0]  }
0x84: {  	v58 =	vld [tilespmem:$0x14930]  }
0x85: {  	v59 =	vld [tilespmem:$0x14B30]  }
0x86: {  	v60 =	vld [tilespmem:$0x14940]  }
0x87: {  	v61 =	vld [tilespmem:$0x14B40]  }
0x88: {  	v5 =	vmul.f32 v7, v5;
	[tilespmem:$0x1FFC0] =	vst v62;
	v62 =	vld [tilespmem:$0x149B0]  }
0x89: {  	v63 =	vld [tilespmem:$0x14B50];
	v7 =	vmul.f32 v9, v8;
	v9 =	vmul.f32 v11, v10  }
0x8a: {  	v8 =	vld [tilespmem:$0x14BC0]  }
0x8b: {  	v4 =	vmul.f32 v6, v4;
	v6 =	vld [tilespmem:$0x149E0];
	v3 =	vadd.f32 v9, v3  }
0x8c: {  	v10 =	vmul.f32 v14, v12;
	v14 =	vld [tilespmem:$0x149D0]  }
0x8d: {  	v3 =	vadd.f32 v5, v3;
	[tilespmem:$0x1FFD0] =	vst v62;
	v62 =	vld [tilespmem:$0x14BB0]  }
0x8e: {  	v11 =	vmul.f32 v15, v13;
	v15 =	vld [tilespmem:$0x14BD0];
	v2 =	vadd.f32 v10, v2  }
0x8f: {  	v12 =	vmul.f32 v17, v16;
	v16 =	vld [tilespmem:$0x14BE0];
	v3 =	vadd.f32 v20, v3  }
0x90: {  	p0 =	seq.s32 s26, $0x18;
	v1 =	vadd.f32 v11, v1;
	v2 =	vadd.f32 v7, v2;
	v7 =	vld [tilespmem:$0x149F0]  }
0x91: {  	s29 =	sadd.s32 @!p0 $0x400, s28;
	s30 =	simm.s32 @!p0 $0x200;
	s31 =	simm.s32 @!p0 $0xC800;
	v17 =	vld [tilespmem:$0x14BF0];
	v3 =	vadd.f32 v24, v3  }
0x92: {  	v1 =	vadd.f32 v4, v1;
	[tilespmem:$0x1FFE0] =	vst v62;
	v62 =	vld [tilespmem:$0x149C0];
	[tilespmem:s31], [sflag:$0x1] =	stream.indirect.gather @!p0 [hbm4b:s3+s30], $0x20, s29, s30, $0xb8  }
0x93: {  	s28 =	sadd.s32 @!p0 $0x6800, s28;
	v3 =	vadd.f32 v28, v3;
	s31 =	simm.s32 @!p0 $0x10800  }
0x94: {  	v1 =	vadd.f32 v22, v1;
	[tilespmem:s31], [sflag:$0x1] =	stream.indirect.gather @!p0 [hbm4b:s4+s30], $0x20, s28, s30, $0xb8;
	[tilespmem:$0x1D010] =	vst v63  }
0x95: {  	v9 =	vmul.f32 v19, v18;
	v0 =	vadd.f32 v12, v0;
	v3 =	vadd.f32 v32, v3;
	s31 =	simm.s32 @!p0 $0x14800  }
0x96: {  	v1 =	vadd.f32 v26, v1;
	[tilespmem:s31], [sflag:$0x1] =	stream.indirect.gather @!p0 [hbm4b:s5+s30], $0x1, s29, s30, $0xb8;
	[tilespmem:$0x1D010] =	vst v63  }
0x97: {  	v0 =	vadd.f32 v9, v0;
	v3 =	vadd.f32 v36, v3;
	s29 =	simm.s32 @!p0 $0x14A00;
	[tilespmem:$0x1FFF0] =	vst v62  }
0x98: {  	v1 =	vadd.f32 v30, v1;
	[tilespmem:s29], [sflag:$0x1] =	stream.indirect.gather @!p0 [hbm4b:s6+s30], $0x1, s28, s30, $0xb8;
	[tilespmem:$0x1D010] =	vst v63  }
0x99: {  	v0 =	vadd.f32 v23, v0;
	v3 =	vadd.f32 v40, v3;
	_ =	swait.ge [sflag:s23], $0x4000  }
0x9a: {  	v1 =	vadd.f32 v34, v1;
	[sflag:s23] =	ssyncset.done $0x0  }
0x9b: {  	v0 =	vadd.f32 v27, v0;
	v3 =	vadd.f32 v44, v3;
	[sflag:s23] =	ssyncadd.s32 $0xFFFFC000  }
0x9c: {  	v1 =	vadd.f32 v38, v1;
	_ =	swait.ge [sflag:s23], $0x4000  }
0x9d: {  	v0 =	vadd.f32 v31, v0;
	v3 =	vadd.f32 v48, v3;
	[sflag:s23] =	ssyncset.done $0x0  }
0x9e: {  	v1 =	vadd.f32 v42, v1;
	[sflag:s23] =	ssyncadd.s32 $0xFFFFC000  }
0x9f: {  	v0 =	vadd.f32 v35, v0;
	v3 =	vadd.f32 v52, v3;
	_ =	swait.ge [sflag:s23], $0x200  }
0xa0: {  	v1 =	vadd.f32 v46, v1;
	[sflag:s23] =	ssyncset.done $0x0  }
0xa1: {  	v0 =	vadd.f32 v39, v0;
	v3 =	vadd.f32 v56, v3;
	[sflag:s23] =	ssyncadd.s32 $0xFFFFFE00  }
0xa2: {  	v2 =	vadd.f32 v21, v2;
	v1 =	vadd.f32 v50, v1;
	_ =	swait.ge [sflag:s23], $0x200  }
0xa3: {  	v0 =	vadd.f32 v43, v0;
	v5 =	vadd.f32 v60, v3;
	v3 =	vld [tilespmem:$0x1FF20]  }
0xa4: {  	v1 =	vadd.f32 v54, v1  }
0xa5: {  	v2 =	vadd.f32 v25, v2;
	v0 =	vadd.f32 v47, v0;
	v11 =	vld [tilespmem:$0x1FF50]  }
0xa6: {  	v1 =	vadd.f32 v58, v1  }
0xa7: {  	v2 =	vadd.f32 v29, v2;
	v0 =	vadd.f32 v51, v0  }
0xa8: {  	v1 =	vadd.f32 v3, v1  }
0xa9: {  	v2 =	vadd.f32 v33, v2;
	v0 =	vadd.f32 v55, v0  }
0xaa: {  	v11 =	vadd.f32 v11, v1;
	v1 =	vld [tilespmem:$0x1FF60]  }
0xab: {  	v2 =	vadd.f32 v37, v2;
	v4 =	vadd.f32 v59, v0;
	_ =	sdelay $0x1  }
0xac: {  	v2 =	vadd.f32 v41, v2;
	v4 =	vadd.f32 v63, v4;
	v10 =	vld [tilespmem:$0x1FF30];
	_ =	sdelay $0x1  }
0xad: {  	v2 =	vadd.f32 v45, v2;
	v12 =	vadd.f32 v1, v4;
	v4 =	vld [tilespmem:$0x1FF70];
	_ =	sdelay $0x1  }
0xae: {  	v2 =	vadd.f32 v49, v2  }
0xaf: {  	v19 =	vld [tilespmem:$0x1FFD0];
	v10 =	vadd.f32 v10, v5  }
0xb0: {  	v2 =	vadd.f32 v53, v2;
	v63 =	vld [tilespmem:$0x1FFF0]  }
0xb1: {  	[sflag:s23] =	ssyncset.done $0x0;
	v13 =	vadd.f32 v4, v10;
	v10 =	vld [tilespmem:$0x1FF90]  }
0xb2: {  	v2 =	vadd.f32 v57, v2;
	s28 =	simm.s32 $0x0;
	[sflag:s23] =	ssyncadd.s32 $0xFFFFFE00;
	v5 =	vld [tilespmem:$0x1FF40]  }
0xb3: {  	v0 =	vld [tilespmem:s28+$0x14C40]  }
0xb4: {  	v9 =	vadd.f32 v61, v2;
	v2 =	vld [tilespmem:s28+$0x18C40]  }
0xb5: {  	v3 =	vld [tilespmem:s28+$0x14C50]  }
0xb6: {  	v18 =	vadd.f32 v10, v11;
	v11 =	vld [tilespmem:$0x1FFB0]  }
0xb7: {  	v9 =	vadd.f32 v5, v9;
	v5 =	vld [tilespmem:s28+$0x18C50]  }
0xb8: {  	v4 =	vld [tilespmem:$0x1FF80]  }
0xb9: {  	v10 =	vld [tilespmem:$0x1FFA0]  }
0xba: {  	v18 =	vadd.f32 v19, v18;
	v19 =	vld [tilespmem:$0x1FFE0]  }
0xbb: {  	v13 =	vadd.f32 v11, v13;
	v11 =	vld [tilespmem:$0x1FFC0]  }
0xbc: {  	v1 =	vld [tilespmem:s28+$0x14C60]  }
0xbd: {  	v9 =	vadd.f32 v4, v9;
	v4 =	vld [tilespmem:s28+$0x18C60]  }
0xbe: {  	v18 =	vadd.f32 v14, v18;
	v14 =	vld [tilespmem:s28+$0x14C20];
	v12 =	vadd.f32 v10, v12  }
0xbf: {  	v10 =	vld [tilespmem:s28+$0x14C00]  }
0xc0: {  	v19 =	vadd.f32 v19, v12;
	v12 =	vld [tilespmem:s28+$0x14C10];
	v9 =	vadd.f32 v11, v9  }
0xc1: {  	v20 =	vadd.f32 v63, v13;
	v13 =	vld [tilespmem:s28+$0x18C10]  }
0xc2: {  	v19 =	vadd.f32 v15, v19;
	v15 =	vld [tilespmem:s28+$0x18C20];
	v9 =	vadd.f32 v8, v9  }
0xc3: {  	v11 =	vld [tilespmem:s28+$0x18C00];
	v8 =	vadd.f32 v6, v20;
	v6 =	vadd.f32 v7, v18  }
0xc4: {  	s29 =	simm.s32 $0x200;
	v7 =	vadd.f32 v17, v19;
	v9 =	vadd.f32 v16, v9;
	v16 =	vld [tilespmem:s28+$0x14C30]  }
.LBB2_5:
0xc5: {  	p0 =	sne.s32 s29, $0xFE00;
	v17 =	vld [tilespmem:s28+$0x18C30]  }
0xc6: {  	v18 =	vld [tilespmem:s28+$0x14C70]  }
0xc7: {  	v19 =	vld [tilespmem:s28+$0x18C70];
	s28 =	sshra.s32 s29, $0x2  }
0xc8: {  	v20 =	vmul.f32 v2, v0;
	v21 =	vmul.f32 v5, v3;
	v0 =	vld [tilespmem:s28+$0x14C40]  }
0xc9: {  	v10 =	vmul.f32 v11, v10;
	v11 =	vmul.f32 v13, v12;
	v2 =	vld [tilespmem:s28+$0x18C40]  }
0xca: {  	v12 =	vmul.f32 v15, v14;
	v3 =	vld [tilespmem:s28+$0x14C50];
	v13 =	vmul.f32 v17, v16  }
0xcb: {  	v8 =	vadd.f32 v10, v8;
	v9 =	vadd.f32 v11, v9;
	v11 =	vmul.f32 v4, v1;
	v5 =	vld [tilespmem:s28+$0x18C50]  }
0xcc: {  	v6 =	vadd.f32 v12, v6;
	v1 =	vld [tilespmem:s28+$0x14C60];
	v7 =	vadd.f32 v13, v7;
	v12 =	vmul.f32 v19, v18  }
0xcd: {  	v8 =	vadd.f32 v20, v8;
	v9 =	vadd.f32 v21, v9;
	v4 =	vld [tilespmem:s28+$0x18C60]  }
0xce: {  	v6 =	vadd.f32 v11, v6;
	v10 =	vld [tilespmem:s28+$0x14C00];
	v7 =	vadd.f32 v12, v7  }
0xcf: {  	v11 =	vld [tilespmem:s28+$0x18C00]  }
.Ltmp1:
0xd0: {  	v12 =	vld [tilespmem:s28+$0x14C10];
	(pc) =	sbr.rel @p0 .LBB2_5-.Ltmp1, $4  }
0xd1: {  	v13 =	vld [tilespmem:s28+$0x18C10]  }
0xd2: {  	v14 =	vld [tilespmem:s28+$0x14C20]  }
0xd3: {  	v15 =	vld [tilespmem:s28+$0x18C20]  }
0xd4: {  	s29 =	sadd.s32 $0x200, s29;
	v16 =	vld [tilespmem:s28+$0x14C30]  }
0xd5: {  	v17 =	vld [tilespmem:s28+$0x18C30]  }
0xd6: {  	v18 =	vld [tilespmem:s28+$0x14C70]  }
0xd7: {  	v19 =	vld [tilespmem:s28+$0x18C70]  }
0xd8: {  	v20 =	vld [tilespmem:$0x1CC00]  }
0xd9: {  	v21 =	vld [tilespmem:$0x1CE00]  }
0xda: {  	v22 =	vld [tilespmem:$0x1CC10]  }
0xdb: {  	v23 =	vld [tilespmem:$0x1CE10]  }
0xdc: {  	v24 =	vld [tilespmem:$0x1CC20]  }
0xdd: {  	v25 =	vld [tilespmem:$0x1CE20]  }
0xde: {  	v26 =	vld [tilespmem:$0x1CC30]  }
0xdf: {  	v27 =	vld [tilespmem:$0x1CE30]  }
0xe0: {  	v28 =	vld [tilespmem:$0x1CC40]  }
0xe1: {  	v29 =	vld [tilespmem:$0x1CE40]  }
0xe2: {  	v30 =	vld [tilespmem:$0x1CC50]  }
0xe3: {  	v31 =	vld [tilespmem:$0x1CE50]  }
0xe4: {  	v32 =	vld [tilespmem:$0x1CC60]  }
0xe5: {  	v33 =	vld [tilespmem:$0x1CE60]  }
0xe6: {  	v34 =	vld [tilespmem:$0x1CC70]  }
0xe7: {  	v35 =	vld [tilespmem:$0x1CE70]  }
0xe8: {  	v36 =	vld [tilespmem:$0x1CC80]  }
0xe9: {  	v37 =	vld [tilespmem:$0x1CE80]  }
0xea: {  	v38 =	vld [tilespmem:$0x1CC90]  }
0xeb: {  	v39 =	vld [tilespmem:$0x1CE90]  }
0xec: {  	v40 =	vld [tilespmem:$0x1CCA0]  }
0xed: {  	v41 =	vld [tilespmem:$0x1CEA0]  }
0xee: {  	v42 =	vld [tilespmem:$0x1CCB0]  }
0xef: {  	v43 =	vld [tilespmem:$0x1CEB0]  }
0xf0: {  	v44 =	vld [tilespmem:$0x1CCC0]  }
0xf1: {  	v45 =	vld [tilespmem:$0x1CEC0]  }
0xf2: {  	v46 =	vld [tilespmem:$0x1CCD0]  }
0xf3: {  	v47 =	vld [tilespmem:$0x1CED0]  }
0xf4: {  	v48 =	vld [tilespmem:$0x1CCE0]  }
0xf5: {  	v49 =	vld [tilespmem:$0x1CEE0];
	v0 =	vmul.f32 v2, v0  }
0xf6: {  	v2 =	vmul.f32 v5, v3;
	v3 =	vld [tilespmem:$0x1CCF0];
	v5 =	vmul.f32 v11, v10  }
0xf7: {  	v11 =	vld [tilespmem:$0x1CEF0];
	v1 =	vmul.f32 v4, v1;
	v52 =	vmul.f32 v13, v12  }
0xf8: {  	v4 =	vld [tilespmem:$0x1CF00];
	v53 =	vmul.f32 v15, v14;
	v54 =	vmul.f32 v17, v16  }
0xf9: {  	v57 =	vld [tilespmem:$0x1CD10];
	v5 =	vadd.f32 v5, v8;
	v55 =	vadd.f32 v52, v9  }
0xfa: {  	v59 =	vld [tilespmem:$0x1CD20];
	v6 =	vadd.f32 v53, v6;
	v56 =	vmul.f32 v19, v18;
	v7 =	vadd.f32 v54, v7  }
0xfb: {  	v60 =	vld [tilespmem:$0x1CF20];
	v0 =	vadd.f32 v0, v5;
	v2 =	vadd.f32 v2, v55  }
0xfc: {  	v61 =	vld [tilespmem:$0x1CD30];
	v1 =	vadd.f32 v1, v6;
	v58 =	vadd.f32 v56, v7  }
0xfd: {  	v62 =	vld [tilespmem:$0x1CF30];
	v0 =	vadd.f32 v20, v0;
	v2 =	vadd.f32 v21, v2  }
0xfe: {  	v63 =	vld [tilespmem:$0x1CD40];
	v1 =	vadd.f32 v22, v1;
	v6 =	vadd.f32 v23, v58  }
0xff: {  	v50 =	vld [tilespmem:$0x1CF70];
	v0 =	vadd.f32 v24, v0;
	v2 =	vadd.f32 v25, v2  }
0x100: {  	v51 =	vld [tilespmem:$0x1CD80];
	v1 =	vadd.f32 v26, v1;
	v6 =	vadd.f32 v27, v6  }
0x101: {  	v14 =	vld [tilespmem:$0x1CD00];
	v0 =	vadd.f32 v28, v0;
	v2 =	vadd.f32 v29, v2  }
0x102: {  	v52 =	vld [tilespmem:$0x1CF80];
	v1 =	vadd.f32 v30, v1;
	v6 =	vadd.f32 v31, v6  }
0x103: {  	v5 =	vld [tilespmem:$0x1CF10];
	v0 =	vadd.f32 v32, v0;
	v2 =	vadd.f32 v33, v2  }
0x104: {  	v53 =	vld [tilespmem:$0x1CD90];
	v1 =	vadd.f32 v34, v1;
	v6 =	vadd.f32 v35, v6  }
0x105: {  	v55 =	vld [tilespmem:$0x1CDA0];
	v0 =	vadd.f32 v36, v0;
	v2 =	vadd.f32 v37, v2  }
0x106: {  	v54 =	vld [tilespmem:$0x1CF90];
	v1 =	vadd.f32 v38, v1;
	v6 =	vadd.f32 v39, v6  }
0x107: {  	v56 =	vld [tilespmem:$0x1CFB0];
	v0 =	vadd.f32 v40, v0;
	v2 =	vadd.f32 v41, v2  }
0x108: {  	v29 =	vld [tilespmem:$0x1CF40];
	v1 =	vadd.f32 v42, v1;
	v6 =	vadd.f32 v43, v6  }
0x109: {  	v58 =	vld [tilespmem:$0x1CFC0];
	v0 =	vadd.f32 v44, v0;
	v2 =	vadd.f32 v45, v2  }
0x10a: {  	v33 =	vld [tilespmem:$0x1CF50];
	v1 =	vadd.f32 v46, v1;
	v6 =	vadd.f32 v47, v6  }
0x10b: {  	v31 =	vld [tilespmem:$0x1CD50];
	v0 =	vadd.f32 v48, v0;
	v2 =	vadd.f32 v49, v2  }
0x10c: {  	v37 =	vld [tilespmem:$0x1CF60];
	v1 =	vadd.f32 v3, v1;
	v3 =	vadd.f32 v11, v6  }
0x10d: {  	v35 =	vld [tilespmem:$0x1CD60];
	v0 =	vadd.f32 v14, v0;
	v2 =	vadd.f32 v4, v2  }
0x10e: {  	v39 =	vld [tilespmem:$0x1CD70];
	v1 =	vadd.f32 v57, v1;
	v3 =	vadd.f32 v5, v3  }
0x10f: {  	v4 =	vld [tilespmem:$0x1CFA0];
	v0 =	vadd.f32 v59, v0;
	v2 =	vadd.f32 v60, v2  }
0x110: {  	v59 =	vld [tilespmem:$0x1CDD0];
	v1 =	vadd.f32 v61, v1;
	v3 =	vadd.f32 v62, v3  }
0x111: {  	v57 =	vld [tilespmem:$0x1CDC0];
	v0 =	vadd.f32 v63, v0;
	v2 =	vadd.f32 v29, v2  }
0x112: {  	v60 =	vld [tilespmem:$0x1CFD0];
	v1 =	vadd.f32 v31, v1;
	v3 =	vadd.f32 v33, v3  }
0x113: {  	v5 =	vld [tilespmem:$0x1CDB0];
	v0 =	vadd.f32 v35, v0;
	v2 =	vadd.f32 v37, v2  }
0x114: {  	v63 =	vld [tilespmem:$0x1CDF0];
	v1 =	vadd.f32 v39, v1;
	v3 =	vadd.f32 v50, v3  }
0x115: {  	v61 =	vld [tilespmem:$0x1CDE0];
	v0 =	vadd.f32 v51, v0;
	v2 =	vadd.f32 v52, v2  }
0x116: {  	s26 =	sadd.s32 $0x1, s26;
	v62 =	vld [tilespmem:$0x1CFE0];
	v1 =	vadd.f32 v53, v1;
	v3 =	vadd.f32 v54, v3  }
0x117: {  	p0 =	sne.s32 s26, $0x19;
	v0 =	vadd.f32 v55, v0;
	v2 =	vadd.f32 v4, v2;
	v4 =	vld [tilespmem:$0x1CFF0]  }
.Ltmp2:
0x118: {  	v1 =	vadd.f32 v5, v1;
	v3 =	vadd.f32 v56, v3;
	(pc) =	sbr.rel @p0 .LBB2_2-.Ltmp2, $4  }
0x119: {  	v0 =	vadd.f32 v57, v0;
	v2 =	vadd.f32 v58, v2  }
0x11a: {  	v1 =	vadd.f32 v59, v1;
	v5 =	vadd.f32 v60, v3  }
0x11b: {  	v2 =	vadd.f32 v62, v2;
	v3 =	vadd.f32 v61, v0  }
0x11c: {  	v1 =	vadd.f32 v63, v1;
	v0 =	vadd.f32 v4, v5  }
0x11d: {  	v2 =	vadd.f32 v2, v3;
	_ =	sdelay $0x1  }
0x11e: {  	v1 =	vadd.f32 v1, v2;
	_ =	sdelay $0x1  }
0x11f: {  	s25 =	sadd.s32 $0x1, s25;
	v0 =	vadd.f32 v0, v1  }
0x120: {  	p0 =	sne.s32 s25, s10  }
.Ltmp3:
0x121: {  	[tilespmem:$0x1D000] =	vst v0;
	(pc) =	sbr.rel @p0 .LBB2_1-.Ltmp3, $4  }
0x122: {  	[hbm4b:s9+s2] =	stream.linear.scatter [tilespmem:s24], [sflag:$0x3], $0x10, $0x38;
	[tilespmem:$0x1D010] =	vst v63  }
0x123: {  	_ =	swait.ge [sflag:s11], $0x10  }
0x124: {  	[sflag:s11] =	ssyncset.done $0x0  }
0x125: {  	[sflag:s11] =	ssyncadd.s32 $0xFFFFFFF0  }
0x126: {  	_ =	sfence.sel $0x180000  }
0x127: {  	[bflag:$0x0] =	sbarrier.arrive $0xFFFF  }
0x128: {  	p0 =	sne.s32 s1, $0x0;
	_ =	strace $0x90000047  }
0x129: {  	s0 =	sadd.s32 @!p0 $0x100000, s0;
	[bflag:$0x2] =	sbarrier.arrive $0xFFFF  }
0x12a: {  	[sflag:s0] =	ssyncadd.tile.s32 @!p0 $0x1;
	_ =	shalt  }
.Lfunc_end2:
_tile_overlayer_lowered:
.L_overlay_start_2:
0x12b: {  	(tag) =	ssettag $0x2  }
0x12c: {  	s0 =	rddreg [dreg:$0x0];
	s2 =	stileid.u32  }
0x12d: {  	s1 =	rddreg [dreg:$0x1];
	p0 =	sne.s32 s2, $0x0  }
0x12e: {  	s3 =	rddreg [dreg:$0x2];
	[bflag:$0x3] =	sbarrier.arrive $0xFFFF;
	s2 =	simm.s32 @!p0 $0x1C03  }
0x12f: {  	[timem:s3], [sflag:s2] =	dma.local @!p0 [hbm:s0], s1  }
0x130: {  	s0 =	simm.s32 @!p0 $0x3  }
0x131: {  	_ =	swait.ge @!p0 [sflag:s0], s1  }
0x132: {  	s1 =	ssub.s32 @!p0 $0x0, s1;
	[sflag:s0] =	ssyncset.done @!p0 $0x0  }
0x133: {  	[sflag:s0] =	ssyncadd.s32 @!p0 s1  }
0x134: {  	[bflag:$0x3] =	sbarrier.arrive $0xFFFF  }
0x135: {  	_ =	shalt  }

</sc_bundles>
